<compile_context>
chip_gen: v7x
topology: tpu7x:2x2x1
jax: 0.10.2.dev20260603
libtpu: 0.0.44.dev20260713+nightly
codegen_flags: <defaults>
</compile_context>

<pallas_src>
import functools

import jax
import jax.numpy as jnp
from jax import lax
from jax.experimental import pallas as pl
from jax.experimental.pallas import tpu as pltpu
from jax.experimental.pallas import tpu_sc as plsc

NP = 50000
NA = 20000
NP_PAD = 51200
NA_PAD = 20480
PAD_IDX = NP_PAD - 1
NT = 16
LANE = 128
BLK = 1024
E_PAD = 19456
CHUNKS = E_PAD // LANE
KP = 4
GP = CHUNKS // (2 * KP)
SL = NP_PAD // NT

_sc_mesh = plsc.VectorSubcoreMesh(core_axis_name="c", subcore_axis_name="s")


@functools.partial(
    pl.kernel,
    out_type=jax.ShapeDtypeStruct((2, NP_PAD), jnp.float32),
    mesh=_sc_mesh,
    scratch_types=[
        pltpu.VMEM((CHUNKS, LANE), jnp.int32),
        pltpu.VMEM((LANE,), jnp.float32),
        pltpu.SemaphoreType.DMA,
        pltpu.VMEM_SHARED((NP_PAD,), jnp.float32),
    ],
)
def _sc_count(dsts_hbm, zeros_hbm, ones_hbm, cnt_out, idx_v, ones_v, sem, acc):
    c = lax.axis_index("c")
    s = lax.axis_index("s")
    w = c * NT + s
    pltpu.sync_copy(zeros_hbm.at[pl.ds(s * SL, SL)], acc.at[pl.ds(s * SL, SL)])
    pltpu.sync_copy(ones_hbm, ones_v)
    pltpu.sync_copy(dsts_hbm.at[w], idx_v)
    plsc.subcore_barrier()

    def body(gi, carry):
        base = gi * 2 * KP
        for k in range(2 * KP):
            pltpu.async_copy(ones_v, acc.at[idx_v.at[base + k]], sem, add=True)
        for k in range(2 * KP):
            pltpu.make_async_copy(ones_v, acc.at[idx_v.at[base + k]], sem).wait()
        return carry

    lax.fori_loop(0, GP, body, 0)
    plsc.subcore_barrier()
    pltpu.sync_copy(acc.at[pl.ds(s * SL, SL)], cnt_out.at[c].at[pl.ds(s * SL, SL)])


@functools.partial(
    pl.kernel,
    out_type=jax.ShapeDtypeStruct((2, NP_PAD), jnp.float32),
    mesh=_sc_mesh,
    scratch_types=[
        pltpu.VMEM((CHUNKS, LANE), jnp.int32),
        pltpu.VMEM((CHUNKS, LANE), jnp.int32),
        pltpu.VMEM((2 * KP, LANE), jnp.float32),
        pltpu.SemaphoreType.DMA,
        pltpu.SemaphoreType.DMA,
        pltpu.SemaphoreType.DMA,
        pltpu.VMEM_SHARED((NP_PAD,), jnp.float32),
    ],
)
def _sc_scatter(srcs_hbm, dsts_hbm, table_hbm, zeros_hbm, acc_out,
                src_v, dst_v, vals_v, gsem0, gsem1, ssem, acc):
    c = lax.axis_index("c")
    s = lax.axis_index("s")
    w = c * NT + s
    pltpu.sync_copy(zeros_hbm.at[pl.ds(s * SL, SL)], acc.at[pl.ds(s * SL, SL)])
    pltpu.sync_copy(srcs_hbm.at[w], src_v)
    pltpu.sync_copy(dsts_hbm.at[w], dst_v)
    plsc.subcore_barrier()

    def gather(j, buf, sem):
        return pltpu.async_copy(table_hbm.at[src_v.at[j]], vals_v.at[buf], sem)

    def gather_wait(j, buf, sem):
        pltpu.make_async_copy(table_hbm.at[src_v.at[j]], vals_v.at[buf],
                              sem).wait()

    def body(p, carry):
        b0 = 2 * p * KP
        b1 = b0 + KP
        for k in range(KP):
            gather_wait(b0 + k, k, gsem0)
        for k in range(KP):
            gather(b1 + k, KP + k, gsem1)
        for k in range(KP):
            pltpu.async_copy(vals_v.at[k], acc.at[dst_v.at[b0 + k]], ssem,
                             add=True)
        for k in range(KP):
            pltpu.make_async_copy(vals_v.at[k], acc.at[dst_v.at[b0 + k]],
                                  ssem).wait()

        @pl.when(p + 1 < GP)
        def _():
            for k in range(KP):
                gather(b1 + KP + k, k, gsem0)

        for k in range(KP):
            gather_wait(b1 + k, KP + k, gsem1)
        for k in range(KP):
            pltpu.async_copy(vals_v.at[KP + k], acc.at[dst_v.at[b1 + k]], ssem,
                             add=True)
        for k in range(KP):
            pltpu.make_async_copy(vals_v.at[KP + k], acc.at[dst_v.at[b1 + k]],
                                  ssem).wait()
        return carry

    for k in range(KP):
        gather(k, k, gsem0)
    lax.fori_loop(0, GP, body, 0)
    plsc.subcore_barrier()
    pltpu.sync_copy(acc.at[pl.ds(s * SL, SL)], acc_out.at[c].at[pl.ds(s * SL, SL)])


TR = BLK // LANE


def _tc_pre_body(xp_ref, xa_ref, deg_ref, cnt_ref, wg_ref, wl_ref, wr_ref,
                 wo_ref, bg_ref, bs_ref, bo_ref,
                 h_ref, dis_ref, invc_ref, s_ref, a_ref):
    i = pl.program_id(0)
    wo = wo_ref[...]
    x = xp_ref[...]
    g = jnp.dot(x, wg_ref[...] @ wo,
                preferred_element_type=jnp.float32).reshape(TR, LANE)
    r = jnp.dot(x, wr_ref[...] @ wo,
                preferred_element_type=jnp.float32).reshape(TR, LANE)
    deg = deg_ref[...] + 1.0
    dis = lax.rsqrt(deg)
    cval = (bg_ref[...] + bs_ref[...]) @ wo + bo_ref[...]
    h_ref[...] = g * dis
    dis_ref[...] = dis
    invc_ref[...] = 1.0 / jnp.maximum(cnt_ref[...], 1.0)
    s_ref[...] = g / deg + r + cval

    @pl.when(i < NA_PAD // BLK)
    def _():
        a_ref[...] = jnp.dot(xa_ref[...], wl_ref[...] @ wo,
                             preferred_element_type=jnp.float32
                             ).reshape(TR, LANE)


def _tc_pre(xp, xa, deg, cnt, wg, wl, wr, wo, bg, bs, bo):
    n_a = NA_PAD // BLK
    n_p = NP // BLK
    grid = (NP_PAD // BLK,)
    tile = lambda i: (i, 0)
    pcol = lambda i: (jnp.minimum(i, n_p), 0)
    acol = lambda i: (jnp.minimum(i, n_a - 1), 0)
    fixed = lambda i: (0, 0)
    tspec = pl.BlockSpec((TR, LANE), tile)
    return pl.pallas_call(
        _tc_pre_body,
        grid=grid,
        in_specs=[
            pl.BlockSpec((BLK, 128), pcol),
            pl.BlockSpec((BLK, 128), acol),
            tspec,
            tspec,
            pl.BlockSpec((128, 32), fixed),
            pl.BlockSpec((128, 32), fixed),
            pl.BlockSpec((128, 32), fixed),
            pl.BlockSpec((32, 1), fixed),
            pl.BlockSpec((1, 32), fixed),
            pl.BlockSpec((1, 32), fixed),
            pl.BlockSpec((1, 1), fixed),
        ],
        out_specs=[
            tspec,
            tspec,
            tspec,
            tspec,
            pl.BlockSpec((TR, LANE), acol),
        ],
        out_shape=[
            jax.ShapeDtypeStruct((NP_PAD // LANE, LANE), jnp.float32),
            jax.ShapeDtypeStruct((NP_PAD // LANE, LANE), jnp.float32),
            jax.ShapeDtypeStruct((NP_PAD // LANE, LANE), jnp.float32),
            jax.ShapeDtypeStruct((NP_PAD // LANE, LANE), jnp.float32),
            jax.ShapeDtypeStruct((NA_PAD // LANE, LANE), jnp.float32),
        ],
    )(xp, xa, deg, cnt, wg, wl, wr, wo, bg, bs, bo)


def _tc_combine_body(dis_ref, invc_ref, s_ref, app_ref, aap_ref, o_ref):
    o_ref[...] = (dis_ref[...] * app_ref[...]
                  + invc_ref[...] * aap_ref[...] + s_ref[...])


def _tc_combine(dis, invc, s, app, aap):
    spec = pl.BlockSpec((TR, LANE), lambda i: (i, 0))
    return pl.pallas_call(
        _tc_combine_body,
        grid=(NP_PAD // BLK,),
        in_specs=[spec] * 5,
        out_specs=spec,
        out_shape=jax.ShapeDtypeStruct((NP_PAD // LANE, LANE), jnp.float32),
    )(dis, invc, s, app, aap)


def _prep_edges(ei, src_off):
    e = ei.shape[1]
    pad = NT * E_PAD - e
    src = jnp.concatenate(
        [ei[0] + src_off, jnp.zeros((pad,), jnp.int32) + src_off])
    dst = jnp.concatenate([ei[1], jnp.full((pad,), PAD_IDX, jnp.int32)])
    return src.reshape(NT, CHUNKS, LANE), dst.reshape(NT, CHUNKS, LANE)


def kernel(x_paper, x_author, edge_index_paper, edge_index_author,
           W_gcn, b_gcn, W_sage_l, W_sage_r, b_sage, W_out, b_out):
    src_pp, dst_pp = _prep_edges(edge_index_paper, 0)
    src_ap, dst_ap = _prep_edges(edge_index_author, NP_PAD)
    srcs = jnp.concatenate([src_pp, src_ap]).reshape(2 * NT, CHUNKS, LANE)
    dsts = jnp.concatenate([dst_pp, dst_ap]).reshape(2 * NT, CHUNKS, LANE)
    zeros = jnp.zeros((NP_PAD,), jnp.float32)
    ones = jnp.ones((LANE,), jnp.float32)

    counts = _sc_count(dsts, zeros, ones)
    deg_m = counts[0].reshape(NP_PAD // LANE, LANE)
    cnt = counts[1].reshape(NP_PAD // LANE, LANE)

    h, dis, invc, s, a = _tc_pre(
        x_paper, x_author, deg_m, cnt, W_gcn, W_sage_l, W_sage_r, W_out,
        b_gcn.reshape(1, 32), b_sage.reshape(1, 32), b_out.reshape(1, 1))

    table = jnp.concatenate([h.reshape(NP_PAD), a.reshape(NA_PAD)])
    accs = _sc_scatter(srcs, dsts, table, zeros)
    app = accs[0].reshape(NP_PAD // LANE, LANE)
    aap = accs[1].reshape(NP_PAD // LANE, LANE)

    out = _tc_combine(dis, invc, s, app, aap)
    return out.reshape(NP_PAD, 1)[:NP]

# --- scband reference (transcript-rebuilt; emitter-appended) ---
"""Pipeline reference for scband-hetero-conv-model-57827439674002 (READ-ONLY COPY).

The authoritative reference and input builder live on the scoring server;
editing this copy changes nothing except your own understanding.
"""

import jax, jax.numpy as jnp
import numpy as np

N_PAPER = 50000
N_AUTHOR = 20000
D = 128
H = 32
E_PP = 300000
E_AP = 300000


def setup_inputs(seed: int = 0) -> dict:
    key = jax.random.key(seed)
    ks = jax.random.split(key, 12)
    x_paper = jax.random.normal(ks[0], (N_PAPER, D), dtype=jnp.float32)
    x_author = jax.random.normal(ks[1], (N_AUTHOR, D), dtype=jnp.float32)
    ei_pp = jax.random.randint(ks[2], (2, E_PP), 0, N_PAPER, dtype=jnp.int32)
    ei_ap = jax.random.randint(ks[3], (2, E_AP), 0, N_AUTHOR, dtype=jnp.int32)
    scale = 1.0 / np.sqrt(D)
    W_gcn = jax.random.normal(ks[4], (D, H), dtype=jnp.float32) * scale
    b_gcn = jnp.zeros((H,), dtype=jnp.float32)
    W_sage_l = jax.random.normal(ks[5], (D, H), dtype=jnp.float32) * scale
    W_sage_r = jax.random.normal(ks[6], (D, H), dtype=jnp.float32) * scale
    b_sage = jnp.zeros((H,), dtype=jnp.float32)
    W_out = jax.random.normal(ks[7], (H, 1), dtype=jnp.float32) * (1.0 / np.sqrt(H))
    b_out = jnp.zeros((1,), dtype=jnp.float32)
    return {
        "x_paper": x_paper,
        "x_author": x_author,
        "edge_index_paper": ei_pp,
        "edge_index_author": ei_ap,
        "W_gcn": W_gcn,
        "b_gcn": b_gcn,
        "W_sage_l": W_sage_l,
        "W_sage_r": W_sage_r,
        "b_sage": b_sage,
        "W_out": W_out,
        "b_out": b_out,
    }


def _gcn_conv(x, ei, W, b, n):
    # GCNConv with self-loops and symmetric normalization (edge_weight=1)
    loop = jnp.arange(n, dtype=ei.dtype)
    src = jnp.concatenate([ei[0], loop])
    dst = jnp.concatenate([ei[1], loop])
    deg = jnp.zeros((n,), jnp.float32).at[dst].add(1.0)
    dis = jnp.where(deg > 0, jax.lax.rsqrt(jnp.maximum(deg, 1e-12)), 0.0)
    norm = dis[src] * dis[dst]
    xw = x @ W
    msg = jnp.take(xw, src, axis=0) * norm[:, None]
    out = jnp.zeros((n, xw.shape[1]), jnp.float32).at[dst].add(msg)
    return out + b


def _sage_conv(x_src, x_dst, ei, Wl, Wr, b, n_dst):
    # SAGEConv with mean aggregation and root weight
    src, dst = ei[0], ei[1]
    s = jnp.zeros((n_dst, x_src.shape[1]), jnp.float32).at[dst].add(jnp.take(x_src, src, axis=0))
    cnt = jnp.zeros((n_dst,), jnp.float32).at[dst].add(1.0)
    mean = s / jnp.maximum(cnt, 1.0)[:, None]
    return mean @ Wl + x_dst @ Wr + b


def reference(x_paper, x_author, edge_index_paper, edge_index_author,
              W_gcn, b_gcn, W_sage_l, W_sage_r, b_sage, W_out, b_out):
    out_gcn = _gcn_conv(x_paper, edge_index_paper, W_gcn, b_gcn, N_PAPER)
    out_sage = _sage_conv(x_author, x_paper, edge_index_author, W_sage_l, W_sage_r, b_sage, N_PAPER)
    # HeteroConv aggr='sum' over convs targeting 'paper'
    out_paper = out_gcn + out_sage
    # model_config is None -> raw linear output, out_channels=1
    out = out_paper @ W_out + b_out
    return out

if __name__ == "__main__":
    import jax
    _d = setup_inputs()
    print(jax.jit(kernel)(*tuple(_d.values())))

</pallas_src>

<mosaic_0001>
#map = affine_map<(d0, d1) -> (0, 0, 0)>
#map1 = affine_map<(d0, d1) -> (0)>
#map2 = affine_map<(d0, d1) -> (0, 0)>
module attributes {stable_mosaic.version = 14 : i64} {
  func.func @_sc_scatter(%arg0: i32, %arg1: i32, %arg2: memref<32x152x128xi32, #tpu.memory_space<hbm>>, %arg3: memref<32x152x128xi32, #tpu.memory_space<hbm>>, %arg4: memref<71680xf32, #tpu.memory_space<hbm>>, %arg5: memref<51200xf32, #tpu.memory_space<hbm>>, %arg6: memref<2x51200xf32, #tpu.memory_space<hbm>>, %arg7: memref<152x128xi32, #tpu.memory_space<vmem>>, %arg8: memref<152x128xi32, #tpu.memory_space<vmem>>, %arg9: memref<8x128xf32, #tpu.memory_space<vmem>>, %arg10: memref<!tpu.dma_semaphore, #tpu.memory_space<semaphore_mem>>, %arg11: memref<!tpu.dma_semaphore, #tpu.memory_space<semaphore_mem>>, %arg12: memref<!tpu.dma_semaphore, #tpu.memory_space<semaphore_mem>>, %arg13: memref<51200xf32, #tpu.memory_space<vmem_shared>>) attributes {dimension_semantics = [#tpu.dimension_semantics<core_parallel>, #tpu.dimension_semantics<subcore_parallel>], iteration_bounds = array<i64: 2, 16>, scalar_prefetch = 0 : i64, scratch_operands = 7 : i64, tpu.core_type = #tpu.core_type<sc_vector_subcore>, window_params = [{transform_indices = #map}, {transform_indices = #map}, {transform_indices = #map1}, {transform_indices = #map1}, {transform_indices = #map2}]} {
    %mul3A = arith.constant 16 : i32
    %mul3A_0 = arith.muli %arg0, %mul3A : i32
    %add3A = arith.addi %mul3A_0, %arg1 : i32
    %mul3A_1 = arith.constant 3200 : i32
    %mul3A_2 = arith.muli %arg1, %mul3A_1 : i32
    %mul3A_3 = arith.constant 3200 : i32
    %mul3A_4 = arith.muli %arg1, %mul3A_3 : i32
    "tpu.region"() ({
      %run_scoped3A = tpu.sem_alloc : memref<!tpu.dma_semaphore, #tpu.memory_space<semaphore_mem>>
      %dma_start3A_54 = tpu.memref_slice %arg13[%mul3A_4] : memref<51200xf32, #tpu.memory_space<vmem_shared>> -> memref<3200xf32, #tpu.memory_space<vmem_shared>>
      %dma_start3A_55 = tpu.memref_slice %arg5[%mul3A_2] : memref<51200xf32, #tpu.memory_space<hbm>> -> memref<3200xf32, #tpu.memory_space<hbm>>
      tpu.enqueue_dma source(%dma_start3A_55 : memref<3200xf32, #tpu.memory_space<hbm>>) target(%dma_start3A_54 : memref<3200xf32, #tpu.memory_space<vmem_shared>>) target_semaphore(%run_scoped3A : memref<!tpu.dma_semaphore, #tpu.memory_space<semaphore_mem>>)
      %dma_wait3A = tpu.memref_slice %arg13[%mul3A_4] : memref<51200xf32, #tpu.memory_space<vmem_shared>> -> memref<3200xf32, #tpu.memory_space<vmem_shared>>
      %dma_wait3A_56 = tpu.memref_slice %arg5[%mul3A_2] : memref<51200xf32, #tpu.memory_space<hbm>> -> memref<3200xf32, #tpu.memory_space<hbm>>
      tpu.wait_dma2 semaphore(%run_scoped3A : memref<!tpu.dma_semaphore, #tpu.memory_space<semaphore_mem>>) src(%dma_wait3A_56 : memref<3200xf32, #tpu.memory_space<hbm>>) dst(%dma_wait3A : memref<3200xf32, #tpu.memory_space<vmem_shared>>)
      tpu.yield
    }) : () -> ()
    "tpu.region"() ({
      %run_scoped3A = tpu.sem_alloc : memref<!tpu.dma_semaphore, #tpu.memory_space<semaphore_mem>>
      %dma_start3A_54 = arith.constant 0 : i32
      %dma_start3A_55 = arith.constant 0 : i32
      %dma_start3A_56 = tpu.memref_slice %arg2[%add3A, %dma_start3A_54, %dma_start3A_55] : memref<32x152x128xi32, #tpu.memory_space<hbm>> -> memref<1x152x128xi32, #tpu.memory_space<hbm>>
      %dma_start3A_57 = tpu.memref_squeeze %dma_start3A_56 : memref<1x152x128xi32, #tpu.memory_space<hbm>> -> memref<152x128xi32, #tpu.memory_space<hbm>>
      %dma_start3A_58 = arith.constant 0 : i32
      %dma_start3A_59 = arith.constant 0 : i32
      %dma_start3A_60 = tpu.memref_slice %arg2[%add3A, %dma_start3A_58, %dma_start3A_59] : memref<32x152x128xi32, #tpu.memory_space<hbm>> -> memref<1x152x128xi32, #tpu.memory_space<hbm>>
      %dma_start3A_61 = tpu.memref_squeeze %dma_start3A_60 : memref<1x152x128xi32, #tpu.memory_space<hbm>> -> memref<152x128xi32, #tpu.memory_space<hbm>>
      tpu.enqueue_dma source(%dma_start3A_61 : memref<152x128xi32, #tpu.memory_space<hbm>>) target(%arg7 : memref<152x128xi32, #tpu.memory_space<vmem>>) target_semaphore(%run_scoped3A : memref<!tpu.dma_semaphore, #tpu.memory_space<semaphore_mem>>)
      %dma_wait3A = arith.constant 0 : i32
      %dma_wait3A_62 = arith.constant 0 : i32
      %dma_wait3A_63 = tpu.memref_slice %arg2[%add3A, %dma_wait3A, %dma_wait3A_62] : memref<32x152x128xi32, #tpu.memory_space<hbm>> -> memref<1x152x128xi32, #tpu.memory_space<hbm>>
      %dma_wait3A_64 = tpu.memref_squeeze %dma_wait3A_63 : memref<1x152x128xi32, #tpu.memory_space<hbm>> -> memref<152x128xi32, #tpu.memory_space<hbm>>
      %dma_wait3A_65 = arith.constant 0 : i32
      %dma_wait3A_66 = arith.constant 0 : i32
      %dma_wait3A_67 = tpu.memref_slice %arg2[%add3A, %dma_wait3A_65, %dma_wait3A_66] : memref<32x152x128xi32, #tpu.memory_space<hbm>> -> memref<1x152x128xi32, #tpu.memory_space<hbm>>
      %dma_wait3A_68 = tpu.memref_squeeze %dma_wait3A_67 : memref<1x152x128xi32, #tpu.memory_space<hbm>> -> memref<152x128xi32, #tpu.memory_space<hbm>>
      tpu.wait_dma2 semaphore(%run_scoped3A : memref<!tpu.dma_semaphore, #tpu.memory_space<semaphore_mem>>) src(%dma_wait3A_68 : memref<152x128xi32, #tpu.memory_space<hbm>>) dst(%arg7 : memref<152x128xi32, #tpu.memory_space<vmem>>)
      tpu.yield
    }) : () -> ()
    "tpu.region"() ({
      %run_scoped3A = tpu.sem_alloc : memref<!tpu.dma_semaphore, #tpu.memory_space<semaphore_mem>>
      %dma_start3A_54 = arith.constant 0 : i32
      %dma_start3A_55 = arith.constant 0 : i32
      %dma_start3A_56 = tpu.memref_slice %arg3[%add3A, %dma_start3A_54, %dma_start3A_55] : memref<32x152x128xi32, #tpu.memory_space<hbm>> -> memref<1x152x128xi32, #tpu.memory_space<hbm>>
      %dma_start3A_57 = tpu.memref_squeeze %dma_start3A_56 : memref<1x152x128xi32, #tpu.memory_space<hbm>> -> memref<152x128xi32, #tpu.memory_space<hbm>>
      %dma_start3A_58 = arith.constant 0 : i32
      %dma_start3A_59 = arith.constant 0 : i32
      %dma_start3A_60 = tpu.memref_slice %arg3[%add3A, %dma_start3A_58, %dma_start3A_59] : memref<32x152x128xi32, #tpu.memory_space<hbm>> -> memref<1x152x128xi32, #tpu.memory_space<hbm>>
      %dma_start3A_61 = tpu.memref_squeeze %dma_start3A_60 : memref<1x152x128xi32, #tpu.memory_space<hbm>> -> memref<152x128xi32, #tpu.memory_space<hbm>>
      tpu.enqueue_dma source(%dma_start3A_61 : memref<152x128xi32, #tpu.memory_space<hbm>>) target(%arg8 : memref<152x128xi32, #tpu.memory_space<vmem>>) target_semaphore(%run_scoped3A : memref<!tpu.dma_semaphore, #tpu.memory_space<semaphore_mem>>)
      %dma_wait3A = arith.constant 0 : i32
      %dma_wait3A_62 = arith.constant 0 : i32
      %dma_wait3A_63 = tpu.memref_slice %arg3[%add3A, %dma_wait3A, %dma_wait3A_62] : memref<32x152x128xi32, #tpu.memory_space<hbm>> -> memref<1x152x128xi32, #tpu.memory_space<hbm>>
      %dma_wait3A_64 = tpu.memref_squeeze %dma_wait3A_63 : memref<1x152x128xi32, #tpu.memory_space<hbm>> -> memref<152x128xi32, #tpu.memory_space<hbm>>
      %dma_wait3A_65 = arith.constant 0 : i32
      %dma_wait3A_66 = arith.constant 0 : i32
      %dma_wait3A_67 = tpu.memref_slice %arg3[%add3A, %dma_wait3A_65, %dma_wait3A_66] : memref<32x152x128xi32, #tpu.memory_space<hbm>> -> memref<1x152x128xi32, #tpu.memory_space<hbm>>
      %dma_wait3A_68 = tpu.memref_squeeze %dma_wait3A_67 : memref<1x152x128xi32, #tpu.memory_space<hbm>> -> memref<152x128xi32, #tpu.memory_space<hbm>>
      tpu.wait_dma2 semaphore(%run_scoped3A : memref<!tpu.dma_semaphore, #tpu.memory_space<semaphore_mem>>) src(%dma_wait3A_68 : memref<152x128xi32, #tpu.memory_space<hbm>>) dst(%arg8 : memref<152x128xi32, #tpu.memory_space<vmem>>)
      tpu.yield
    }) : () -> ()
    %barrier3A = arith.constant 0 : index
    tpu.barrier barrier_id(%barrier3A)
    %dma_start3A = arith.constant 0 : i32
    %dma_start3A_5 = arith.constant 0 : i32
    %dma_start3A_6 = arith.constant 0 : i32
    %dma_start3A_7 = tpu.memref_slice %arg9[%dma_start3A_5, %dma_start3A_6] : memref<8x128xf32, #tpu.memory_space<vmem>> -> memref<1x128xf32, #tpu.memory_space<vmem>>
    %dma_start3A_8 = tpu.memref_squeeze %dma_start3A_7 : memref<1x128xf32, #tpu.memory_space<vmem>> -> memref<128xf32, #tpu.memory_space<vmem>>
    %dma_start3A_9 = arith.constant 0 : i32
    %dma_start3A_10 = tpu.memref_slice %arg7[%dma_start3A, %dma_start3A_9] : memref<152x128xi32, #tpu.memory_space<vmem>> -> memref<1x128xi32, #tpu.memory_space<vmem>>
    %dma_start3A_11 = tpu.memref_squeeze %dma_start3A_10 : memref<1x128xi32, #tpu.memory_space<vmem>> -> memref<128xi32, #tpu.memory_space<vmem>>
    %dma_start3A_12 = arith.constant 0 : i32
    %dma_start3A_13 = tpu.memref_slice %arg4[%dma_start3A_12] : memref<71680xf32, #tpu.memory_space<hbm>> -> memref<71680xf32, #tpu.memory_space<hbm>>
    tpu.enqueue_indirect_dma source(%dma_start3A_13 : memref<71680xf32, #tpu.memory_space<hbm>>) target(%dma_start3A_8 : memref<128xf32, #tpu.memory_space<vmem>>) offsets(%dma_start3A_11 : memref<128xi32, #tpu.memory_space<vmem>>) semaphore(%arg10 : memref<!tpu.dma_semaphore, #tpu.memory_space<semaphore_mem>>)
    %dma_start3A_14 = arith.constant 1 : i32
    %dma_start3A_15 = arith.constant 1 : i32
    %dma_start3A_16 = arith.constant 0 : i32
    %dma_start3A_17 = tpu.memref_slice %arg9[%dma_start3A_15, %dma_start3A_16] : memref<8x128xf32, #tpu.memory_space<vmem>> -> memref<1x128xf32, #tpu.memory_space<vmem>>
    %dma_start3A_18 = tpu.memref_squeeze %dma_start3A_17 : memref<1x128xf32, #tpu.memory_space<vmem>> -> memref<128xf32, #tpu.memory_space<vmem>>
    %dma_start3A_19 = arith.constant 0 : i32
    %dma_start3A_20 = tpu.memref_slice %arg7[%dma_start3A_14, %dma_start3A_19] : memref<152x128xi32, #tpu.memory_space<vmem>> -> memref<1x128xi32, #tpu.memory_space<vmem>>
    %dma_start3A_21 = tpu.memref_squeeze %dma_start3A_20 : memref<1x128xi32, #tpu.memory_space<vmem>> -> memref<128xi32, #tpu.memory_space<vmem>>
    %dma_start3A_22 = arith.constant 0 : i32
    %dma_start3A_23 = tpu.memref_slice %arg4[%dma_start3A_22] : memref<71680xf32, #tpu.memory_space<hbm>> -> memref<71680xf32, #tpu.memory_space<hbm>>
    tpu.enqueue_indirect_dma source(%dma_start3A_23 : memref<71680xf32, #tpu.memory_space<hbm>>) target(%dma_start3A_18 : memref<128xf32, #tpu.memory_space<vmem>>) offsets(%dma_start3A_21 : memref<128xi32, #tpu.memory_space<vmem>>) semaphore(%arg10 : memref<!tpu.dma_semaphore, #tpu.memory_space<semaphore_mem>>)
    %dma_start3A_24 = arith.constant 2 : i32
    %dma_start3A_25 = arith.constant 2 : i32
    %dma_start3A_26 = arith.constant 0 : i32
    %dma_start3A_27 = tpu.memref_slice %arg9[%dma_start3A_25, %dma_start3A_26] : memref<8x128xf32, #tpu.memory_space<vmem>> -> memref<1x128xf32, #tpu.memory_space<vmem>>
    %dma_start3A_28 = tpu.memref_squeeze %dma_start3A_27 : memref<1x128xf32, #tpu.memory_space<vmem>> -> memref<128xf32, #tpu.memory_space<vmem>>
    %dma_start3A_29 = arith.constant 0 : i32
    %dma_start3A_30 = tpu.memref_slice %arg7[%dma_start3A_24, %dma_start3A_29] : memref<152x128xi32, #tpu.memory_space<vmem>> -> memref<1x128xi32, #tpu.memory_space<vmem>>
    %dma_start3A_31 = tpu.memref_squeeze %dma_start3A_30 : memref<1x128xi32, #tpu.memory_space<vmem>> -> memref<128xi32, #tpu.memory_space<vmem>>
    %dma_start3A_32 = arith.constant 0 : i32
    %dma_start3A_33 = tpu.memref_slice %arg4[%dma_start3A_32] : memref<71680xf32, #tpu.memory_space<hbm>> -> memref<71680xf32, #tpu.memory_space<hbm>>
    tpu.enqueue_indirect_dma source(%dma_start3A_33 : memref<71680xf32, #tpu.memory_space<hbm>>) target(%dma_start3A_28 : memref<128xf32, #tpu.memory_space<vmem>>) offsets(%dma_start3A_31 : memref<128xi32, #tpu.memory_space<vmem>>) semaphore(%arg10 : memref<!tpu.dma_semaphore, #tpu.memory_space<semaphore_mem>>)
    %dma_start3A_34 = arith.constant 3 : i32
    %dma_start3A_35 = arith.constant 3 : i32
    %dma_start3A_36 = arith.constant 0 : i32
    %dma_start3A_37 = tpu.memref_slice %arg9[%dma_start3A_35, %dma_start3A_36] : memref<8x128xf32, #tpu.memory_space<vmem>> -> memref<1x128xf32, #tpu.memory_space<vmem>>
    %dma_start3A_38 = tpu.memref_squeeze %dma_start3A_37 : memref<1x128xf32, #tpu.memory_space<vmem>> -> memref<128xf32, #tpu.memory_space<vmem>>
    %dma_start3A_39 = arith.constant 0 : i32
    %dma_start3A_40 = tpu.memref_slice %arg7[%dma_start3A_34, %dma_start3A_39] : memref<152x128xi32, #tpu.memory_space<vmem>> -> memref<1x128xi32, #tpu.memory_space<vmem>>
    %dma_start3A_41 = tpu.memref_squeeze %dma_start3A_40 : memref<1x128xi32, #tpu.memory_space<vmem>> -> memref<128xi32, #tpu.memory_space<vmem>>
    %dma_start3A_42 = arith.constant 0 : i32
    %dma_start3A_43 = tpu.memref_slice %arg4[%dma_start3A_42] : memref<71680xf32, #tpu.memory_space<hbm>> -> memref<71680xf32, #tpu.memory_space<hbm>>
    tpu.enqueue_indirect_dma source(%dma_start3A_43 : memref<71680xf32, #tpu.memory_space<hbm>>) target(%dma_start3A_38 : memref<128xf32, #tpu.memory_space<vmem>>) offsets(%dma_start3A_41 : memref<128xi32, #tpu.memory_space<vmem>>) semaphore(%arg10 : memref<!tpu.dma_semaphore, #tpu.memory_space<semaphore_mem>>)
    %scan3A = arith.constant 0 : i32
    %scan3A_44 = arith.constant 0 : i32
    %scan3A_45 = arith.constant 19 : i32
    %scan3A_46 = arith.addi %scan3A_44, %scan3A_45 : i32
    %scan3A_47 = arith.constant 1 : i32
    scf.for %scan3A_54 = %scan3A_44 to %scan3A_46 step %scan3A_47  : i32 {
      %mul3A_55 = arith.constant 2 : i32
      %mul3A_56 = arith.muli %mul3A_55, %scan3A_54 : i32
      %mul3A_57 = arith.constant 4 : i32
      %mul3A_58 = arith.muli %mul3A_56, %mul3A_57 : i32
      %add3A_59 = arith.constant 4 : i32
      %add3A_60 = arith.addi %mul3A_58, %add3A_59 : i32
      %add3A_61 = arith.constant 0 : i32
      %add3A_62 = arith.addi %mul3A_58, %add3A_61 : i32
      %dma_wait3A = arith.constant 0 : i32
      %dma_wait3A_63 = arith.constant 0 : i32
      %dma_wait3A_64 = tpu.memref_slice %arg9[%dma_wait3A, %dma_wait3A_63] : memref<8x128xf32, #tpu.memory_space<vmem>> -> memref<1x128xf32, #tpu.memory_space<vmem>>
      %dma_wait3A_65 = tpu.memref_squeeze %dma_wait3A_64 : memref<1x128xf32, #tpu.memory_space<vmem>> -> memref<128xf32, #tpu.memory_space<vmem>>
      %dma_wait3A_66 = arith.constant 0 : i32
      %dma_wait3A_67 = tpu.memref_slice %arg7[%add3A_62, %dma_wait3A_66] : memref<152x128xi32, #tpu.memory_space<vmem>> -> memref<1x128xi32, #tpu.memory_space<vmem>>
      %dma_wait3A_68 = tpu.memref_squeeze %dma_wait3A_67 : memref<1x128xi32, #tpu.memory_space<vmem>> -> memref<128xi32, #tpu.memory_space<vmem>>
      %dma_wait3A_69 = arith.constant 0 : i32
      %dma_wait3A_70 = tpu.memref_slice %arg4[%dma_wait3A_69] : memref<71680xf32, #tpu.memory_space<hbm>> -> memref<71680xf32, #tpu.memory_space<hbm>>
      tpu.wait_indirect_dma semaphore(%arg10 : memref<!tpu.dma_semaphore, #tpu.memory_space<semaphore_mem>>) src(%dma_wait3A_70 : memref<71680xf32, #tpu.memory_space<hbm>>) dst(%dma_wait3A_65 : memref<128xf32, #tpu.memory_space<vmem>>)
      %add3A_71 = arith.constant 1 : i32
      %add3A_72 = arith.addi %mul3A_58, %add3A_71 : i32
      %dma_wait3A_73 = arith.constant 1 : i32
      %dma_wait3A_74 = arith.constant 0 : i32
      %dma_wait3A_75 = tpu.memref_slice %arg9[%dma_wait3A_73, %dma_wait3A_74] : memref<8x128xf32, #tpu.memory_space<vmem>> -> memref<1x128xf32, #tpu.memory_space<vmem>>
      %dma_wait3A_76 = tpu.memref_squeeze %dma_wait3A_75 : memref<1x128xf32, #tpu.memory_space<vmem>> -> memref<128xf32, #tpu.memory_space<vmem>>
      %dma_wait3A_77 = arith.constant 0 : i32
      %dma_wait3A_78 = tpu.memref_slice %arg7[%add3A_72, %dma_wait3A_77] : memref<152x128xi32, #tpu.memory_space<vmem>> -> memref<1x128xi32, #tpu.memory_space<vmem>>
      %dma_wait3A_79 = tpu.memref_squeeze %dma_wait3A_78 : memref<1x128xi32, #tpu.memory_space<vmem>> -> memref<128xi32, #tpu.memory_space<vmem>>
      %dma_wait3A_80 = arith.constant 0 : i32
      %dma_wait3A_81 = tpu.memref_slice %arg4[%dma_wait3A_80] : memref<71680xf32, #tpu.memory_space<hbm>> -> memref<71680xf32, #tpu.memory_space<hbm>>
      tpu.wait_indirect_dma semaphore(%arg10 : memref<!tpu.dma_semaphore, #tpu.memory_space<semaphore_mem>>) src(%dma_wait3A_81 : memref<71680xf32, #tpu.memory_space<hbm>>) dst(%dma_wait3A_76 : memref<128xf32, #tpu.memory_space<vmem>>)
      %add3A_82 = arith.constant 2 : i32
      %add3A_83 = arith.addi %mul3A_58, %add3A_82 : i32
      %dma_wait3A_84 = arith.constant 2 : i32
      %dma_wait3A_85 = arith.constant 0 : i32
      %dma_wait3A_86 = tpu.memref_slice %arg9[%dma_wait3A_84, %dma_wait3A_85] : memref<8x128xf32, #tpu.memory_space<vmem>> -> memref<1x128xf32, #tpu.memory_space<vmem>>
      %dma_wait3A_87 = tpu.memref_squeeze %dma_wait3A_86 : memref<1x128xf32, #tpu.memory_space<vmem>> -> memref<128xf32, #tpu.memory_space<vmem>>
      %dma_wait3A_88 = arith.constant 0 : i32
      %dma_wait3A_89 = tpu.memref_slice %arg7[%add3A_83, %dma_wait3A_88] : memref<152x128xi32, #tpu.memory_space<vmem>> -> memref<1x128xi32, #tpu.memory_space<vmem>>
      %dma_wait3A_90 = tpu.memref_squeeze %dma_wait3A_89 : memref<1x128xi32, #tpu.memory_space<vmem>> -> memref<128xi32, #tpu.memory_space<vmem>>
      %dma_wait3A_91 = arith.constant 0 : i32
      %dma_wait3A_92 = tpu.memref_slice %arg4[%dma_wait3A_91] : memref<71680xf32, #tpu.memory_space<hbm>> -> memref<71680xf32, #tpu.memory_space<hbm>>
      tpu.wait_indirect_dma semaphore(%arg10 : memref<!tpu.dma_semaphore, #tpu.memory_space<semaphore_mem>>) src(%dma_wait3A_92 : memref<71680xf32, #tpu.memory_space<hbm>>) dst(%dma_wait3A_87 : memref<128xf32, #tpu.memory_space<vmem>>)
      %add3A_93 = arith.constant 3 : i32
      %add3A_94 = arith.addi %mul3A_58, %add3A_93 : i32
      %dma_wait3A_95 = arith.constant 3 : i32
      %dma_wait3A_96 = arith.constant 0 : i32
      %dma_wait3A_97 = tpu.memref_slice %arg9[%dma_wait3A_95, %dma_wait3A_96] : memref<8x128xf32, #tpu.memory_space<vmem>> -> memref<1x128xf32, #tpu.memory_space<vmem>>
      %dma_wait3A_98 = tpu.memref_squeeze %dma_wait3A_97 : memref<1x128xf32, #tpu.memory_space<vmem>> -> memref<128xf32, #tpu.memory_space<vmem>>
      %dma_wait3A_99 = arith.constant 0 : i32
      %dma_wait3A_100 = tpu.memref_slice %arg7[%add3A_94, %dma_wait3A_99] : memref<152x128xi32, #tpu.memory_space<vmem>> -> memref<1x128xi32, #tpu.memory_space<vmem>>
      %dma_wait3A_101 = tpu.memref_squeeze %dma_wait3A_100 : memref<1x128xi32, #tpu.memory_space<vmem>> -> memref<128xi32, #tpu.memory_space<vmem>>
      %dma_wait3A_102 = arith.constant 0 : i32
      %dma_wait3A_103 = tpu.memref_slice %arg4[%dma_wait3A_102] : memref<71680xf32, #tpu.memory_space<hbm>> -> memref<71680xf32, #tpu.memory_space<hbm>>
      tpu.wait_indirect_dma semaphore(%arg10 : memref<!tpu.dma_semaphore, #tpu.memory_space<semaphore_mem>>) src(%dma_wait3A_103 : memref<71680xf32, #tpu.memory_space<hbm>>) dst(%dma_wait3A_98 : memref<128xf32, #tpu.memory_space<vmem>>)
      %add3A_104 = arith.constant 0 : i32
      %add3A_105 = arith.addi %add3A_60, %add3A_104 : i32
      %dma_start3A_106 = arith.constant 4 : i32
      %dma_start3A_107 = arith.constant 0 : i32
      %dma_start3A_108 = tpu.memref_slice %arg9[%dma_start3A_106, %dma_start3A_107] : memref<8x128xf32, #tpu.memory_space<vmem>> -> memref<1x128xf32, #tpu.memory_space<vmem>>
      %dma_start3A_109 = tpu.memref_squeeze %dma_start3A_108 : memref<1x128xf32, #tpu.memory_space<vmem>> -> memref<128xf32, #tpu.memory_space<vmem>>
      %dma_start3A_110 = arith.constant 0 : i32
      %dma_start3A_111 = tpu.memref_slice %arg7[%add3A_105, %dma_start3A_110] : memref<152x128xi32, #tpu.memory_space<vmem>> -> memref<1x128xi32, #tpu.memory_space<vmem>>
      %dma_start3A_112 = tpu.memref_squeeze %dma_start3A_111 : memref<1x128xi32, #tpu.memory_space<vmem>> -> memref<128xi32, #tpu.memory_space<vmem>>
      %dma_start3A_113 = arith.constant 0 : i32
      %dma_start3A_114 = tpu.memref_slice %arg4[%dma_start3A_113] : memref<71680xf32, #tpu.memory_space<hbm>> -> memref<71680xf32, #tpu.memory_space<hbm>>
      tpu.enqueue_indirect_dma source(%dma_start3A_114 : memref<71680xf32, #tpu.memory_space<hbm>>) target(%dma_start3A_109 : memref<128xf32, #tpu.memory_space<vmem>>) offsets(%dma_start3A_112 : memref<128xi32, #tpu.memory_space<vmem>>) semaphore(%arg11 : memref<!tpu.dma_semaphore, #tpu.memory_space<semaphore_mem>>)
      %add3A_115 = arith.constant 1 : i32
      %add3A_116 = arith.addi %add3A_60, %add3A_115 : i32
      %dma_start3A_117 = arith.constant 5 : i32
      %dma_start3A_118 = arith.constant 0 : i32
      %dma_start3A_119 = tpu.memref_slice %arg9[%dma_start3A_117, %dma_start3A_118] : memref<8x128xf32, #tpu.memory_space<vmem>> -> memref<1x128xf32, #tpu.memory_space<vmem>>
      %dma_start3A_120 = tpu.memref_squeeze %dma_start3A_119 : memref<1x128xf32, #tpu.memory_space<vmem>> -> memref<128xf32, #tpu.memory_space<vmem>>
      %dma_start3A_121 = arith.constant 0 : i32
      %dma_start3A_122 = tpu.memref_slice %arg7[%add3A_116, %dma_start3A_121] : memref<152x128xi32, #tpu.memory_space<vmem>> -> memref<1x128xi32, #tpu.memory_space<vmem>>
      %dma_start3A_123 = tpu.memref_squeeze %dma_start3A_122 : memref<1x128xi32, #tpu.memory_space<vmem>> -> memref<128xi32, #tpu.memory_space<vmem>>
      %dma_start3A_124 = arith.constant 0 : i32
      %dma_start3A_125 = tpu.memref_slice %arg4[%dma_start3A_124] : memref<71680xf32, #tpu.memory_space<hbm>> -> memref<71680xf32, #tpu.memory_space<hbm>>
      tpu.enqueue_indirect_dma source(%dma_start3A_125 : memref<71680xf32, #tpu.memory_space<hbm>>) target(%dma_start3A_120 : memref<128xf32, #tpu.memory_space<vmem>>) offsets(%dma_start3A_123 : memref<128xi32, #tpu.memory_space<vmem>>) semaphore(%arg11 : memref<!tpu.dma_semaphore, #tpu.memory_space<semaphore_mem>>)
      %add3A_126 = arith.constant 2 : i32
      %add3A_127 = arith.addi %add3A_60, %add3A_126 : i32
      %dma_start3A_128 = arith.constant 6 : i32
      %dma_start3A_129 = arith.constant 0 : i32
      %dma_start3A_130 = tpu.memref_slice %arg9[%dma_start3A_128, %dma_start3A_129] : memref<8x128xf32, #tpu.memory_space<vmem>> -> memref<1x128xf32, #tpu.memory_space<vmem>>
      %dma_start3A_131 = tpu.memref_squeeze %dma_start3A_130 : memref<1x128xf32, #tpu.memory_space<vmem>> -> memref<128xf32, #tpu.memory_space<vmem>>
      %dma_start3A_132 = arith.constant 0 : i32
      %dma_start3A_133 = tpu.memref_slice %arg7[%add3A_127, %dma_start3A_132] : memref<152x128xi32, #tpu.memory_space<vmem>> -> memref<1x128xi32, #tpu.memory_space<vmem>>
      %dma_start3A_134 = tpu.memref_squeeze %dma_start3A_133 : memref<1x128xi32, #tpu.memory_space<vmem>> -> memref<128xi32, #tpu.memory_space<vmem>>
      %dma_start3A_135 = arith.constant 0 : i32
      %dma_start3A_136 = tpu.memref_slice %arg4[%dma_start3A_135] : memref<71680xf32, #tpu.memory_space<hbm>> -> memref<71680xf32, #tpu.memory_space<hbm>>
      tpu.enqueue_indirect_dma source(%dma_start3A_136 : memref<71680xf32, #tpu.memory_space<hbm>>) target(%dma_start3A_131 : memref<128xf32, #tpu.memory_space<vmem>>) offsets(%dma_start3A_134 : memref<128xi32, #tpu.memory_space<vmem>>) semaphore(%arg11 : memref<!tpu.dma_semaphore, #tpu.memory_space<semaphore_mem>>)
      %add3A_137 = arith.constant 3 : i32
      %add3A_138 = arith.addi %add3A_60, %add3A_137 : i32
      %dma_start3A_139 = arith.constant 7 : i32
      %dma_start3A_140 = arith.constant 0 : i32
      %dma_start3A_141 = tpu.memref_slice %arg9[%dma_start3A_139, %dma_start3A_140] : memref<8x128xf32, #tpu.memory_space<vmem>> -> memref<1x128xf32, #tpu.memory_space<vmem>>
      %dma_start3A_142 = tpu.memref_squeeze %dma_start3A_141 : memref<1x128xf32, #tpu.memory_space<vmem>> -> memref<128xf32, #tpu.memory_space<vmem>>
      %dma_start3A_143 = arith.constant 0 : i32
      %dma_start3A_144 = tpu.memref_slice %arg7[%add3A_138, %dma_start3A_143] : memref<152x128xi32, #tpu.memory_space<vmem>> -> memref<1x128xi32, #tpu.memory_space<vmem>>
      %dma_start3A_145 = tpu.memref_squeeze %dma_start3A_144 : memref<1x128xi32, #tpu.memory_space<vmem>> -> memref<128xi32, #tpu.memory_space<vmem>>
      %dma_start3A_146 = arith.constant 0 : i32
      %dma_start3A_147 = tpu.memref_slice %arg4[%dma_start3A_146] : memref<71680xf32, #tpu.memory_space<hbm>> -> memref<71680xf32, #tpu.memory_space<hbm>>
      tpu.enqueue_indirect_dma source(%dma_start3A_147 : memref<71680xf32, #tpu.memory_space<hbm>>) target(%dma_start3A_142 : memref<128xf32, #tpu.memory_space<vmem>>) offsets(%dma_start3A_145 : memref<128xi32, #tpu.memory_space<vmem>>) semaphore(%arg11 : memref<!tpu.dma_semaphore, #tpu.memory_space<semaphore_mem>>)
      %add3A_148 = arith.constant 0 : i32
      %add3A_149 = arith.addi %mul3A_58, %add3A_148 : i32
      %dma_start3A_150 = arith.constant 0 : i32
      %dma_start3A_151 = arith.constant 0 : i32
      %dma_start3A_152 = tpu.memref_slice %arg9[%dma_start3A_150, %dma_start3A_151] : memref<8x128xf32, #tpu.memory_space<vmem>> -> memref<1x128xf32, #tpu.memory_space<vmem>>
      %dma_start3A_153 = tpu.memref_squeeze %dma_start3A_152 : memref<1x128xf32, #tpu.memory_space<vmem>> -> memref<128xf32, #tpu.memory_space<vmem>>
      %dma_start3A_154 = arith.constant 0 : i32
      %dma_start3A_155 = tpu.memref_slice %arg8[%add3A_149, %dma_start3A_154] : memref<152x128xi32, #tpu.memory_space<vmem>> -> memref<1x128xi32, #tpu.memory_space<vmem>>
      %dma_start3A_156 = tpu.memref_squeeze %dma_start3A_155 : memref<1x128xi32, #tpu.memory_space<vmem>> -> memref<128xi32, #tpu.memory_space<vmem>>
      %dma_start3A_157 = arith.constant 0 : i32
      %dma_start3A_158 = tpu.memref_slice %arg13[%dma_start3A_157] : memref<51200xf32, #tpu.memory_space<vmem_shared>> -> memref<51200xf32, #tpu.memory_space<vmem_shared>>
      tpu.enqueue_indirect_dma source(%dma_start3A_153 : memref<128xf32, #tpu.memory_space<vmem>>) target(%dma_start3A_158 : memref<51200xf32, #tpu.memory_space<vmem_shared>>) offsets(%dma_start3A_156 : memref<128xi32, #tpu.memory_space<vmem>>) semaphore(%arg12 : memref<!tpu.dma_semaphore, #tpu.memory_space<semaphore_mem>>) {add = true}
      %add3A_159 = arith.constant 1 : i32
      %add3A_160 = arith.addi %mul3A_58, %add3A_159 : i32
      %dma_start3A_161 = arith.constant 1 : i32
      %dma_start3A_162 = arith.constant 0 : i32
      %dma_start3A_163 = tpu.memref_slice %arg9[%dma_start3A_161, %dma_start3A_162] : memref<8x128xf32, #tpu.memory_space<vmem>> -> memref<1x128xf32, #tpu.memory_space<vmem>>
      %dma_start3A_164 = tpu.memref_squeeze %dma_start3A_163 : memref<1x128xf32, #tpu.memory_space<vmem>> -> memref<128xf32, #tpu.memory_space<vmem>>
      %dma_start3A_165 = arith.constant 0 : i32
      %dma_start3A_166 = tpu.memref_slice %arg8[%add3A_160, %dma_start3A_165] : memref<152x128xi32, #tpu.memory_space<vmem>> -> memref<1x128xi32, #tpu.memory_space<vmem>>
      %dma_start3A_167 = tpu.memref_squeeze %dma_start3A_166 : memref<1x128xi32, #tpu.memory_space<vmem>> -> memref<128xi32, #tpu.memory_space<vmem>>
      %dma_start3A_168 = arith.constant 0 : i32
      %dma_start3A_169 = tpu.memref_slice %arg13[%dma_start3A_168] : memref<51200xf32, #tpu.memory_space<vmem_shared>> -> memref<51200xf32, #tpu.memory_space<vmem_shared>>
      tpu.enqueue_indirect_dma source(%dma_start3A_164 : memref<128xf32, #tpu.memory_space<vmem>>) target(%dma_start3A_169 : memref<51200xf32, #tpu.memory_space<vmem_shared>>) offsets(%dma_start3A_167 : memref<128xi32, #tpu.memory_space<vmem>>) semaphore(%arg12 : memref<!tpu.dma_semaphore, #tpu.memory_space<semaphore_mem>>) {add = true}
      %add3A_170 = arith.constant 2 : i32
      %add3A_171 = arith.addi %mul3A_58, %add3A_170 : i32
      %dma_start3A_172 = arith.constant 2 : i32
      %dma_start3A_173 = arith.constant 0 : i32
      %dma_start3A_174 = tpu.memref_slice %arg9[%dma_start3A_172, %dma_start3A_173] : memref<8x128xf32, #tpu.memory_space<vmem>> -> memref<1x128xf32, #tpu.memory_space<vmem>>
      %dma_start3A_175 = tpu.memref_squeeze %dma_start3A_174 : memref<1x128xf32, #tpu.memory_space<vmem>> -> memref<128xf32, #tpu.memory_space<vmem>>
      %dma_start3A_176 = arith.constant 0 : i32
      %dma_start3A_177 = tpu.memref_slice %arg8[%add3A_171, %dma_start3A_176] : memref<152x128xi32, #tpu.memory_space<vmem>> -> memref<1x128xi32, #tpu.memory_space<vmem>>
      %dma_start3A_178 = tpu.memref_squeeze %dma_start3A_177 : memref<1x128xi32, #tpu.memory_space<vmem>> -> memref<128xi32, #tpu.memory_space<vmem>>
      %dma_start3A_179 = arith.constant 0 : i32
      %dma_start3A_180 = tpu.memref_slice %arg13[%dma_start3A_179] : memref<51200xf32, #tpu.memory_space<vmem_shared>> -> memref<51200xf32, #tpu.memory_space<vmem_shared>>
      tpu.enqueue_indirect_dma source(%dma_start3A_175 : memref<128xf32, #tpu.memory_space<vmem>>) target(%dma_start3A_180 : memref<51200xf32, #tpu.memory_space<vmem_shared>>) offsets(%dma_start3A_178 : memref<128xi32, #tpu.memory_space<vmem>>) semaphore(%arg12 : memref<!tpu.dma_semaphore, #tpu.memory_space<semaphore_mem>>) {add = true}
      %add3A_181 = arith.constant 3 : i32
      %add3A_182 = arith.addi %mul3A_58, %add3A_181 : i32
      %dma_start3A_183 = arith.constant 3 : i32
      %dma_start3A_184 = arith.constant 0 : i32
      %dma_start3A_185 = tpu.memref_slice %arg9[%dma_start3A_183, %dma_start3A_184] : memref<8x128xf32, #tpu.memory_space<vmem>> -> memref<1x128xf32, #tpu.memory_space<vmem>>
      %dma_start3A_186 = tpu.memref_squeeze %dma_start3A_185 : memref<1x128xf32, #tpu.memory_space<vmem>> -> memref<128xf32, #tpu.memory_space<vmem>>
      %dma_start3A_187 = arith.constant 0 : i32
      %dma_start3A_188 = tpu.memref_slice %arg8[%add3A_182, %dma_start3A_187] : memref<152x128xi32, #tpu.memory_space<vmem>> -> memref<1x128xi32, #tpu.memory_space<vmem>>
      %dma_start3A_189 = tpu.memref_squeeze %dma_start3A_188 : memref<1x128xi32, #tpu.memory_space<vmem>> -> memref<128xi32, #tpu.memory_space<vmem>>
      %dma_start3A_190 = arith.constant 0 : i32
      %dma_start3A_191 = tpu.memref_slice %arg13[%dma_start3A_190] : memref<51200xf32, #tpu.memory_space<vmem_shared>> -> memref<51200xf32, #tpu.memory_space<vmem_shared>>
      tpu.enqueue_indirect_dma source(%dma_start3A_186 : memref<128xf32, #tpu.memory_space<vmem>>) target(%dma_start3A_191 : memref<51200xf32, #tpu.memory_space<vmem_shared>>) offsets(%dma_start3A_189 : memref<128xi32, #tpu.memory_space<vmem>>) semaphore(%arg12 : memref<!tpu.dma_semaphore, #tpu.memory_space<semaphore_mem>>) {add = true}
      %add3A_192 = arith.constant 0 : i32
      %add3A_193 = arith.addi %mul3A_58, %add3A_192 : i32
      %dma_wait3A_194 = arith.constant 0 : i32
      %dma_wait3A_195 = arith.constant 0 : i32
      %dma_wait3A_196 = tpu.memref_slice %arg9[%dma_wait3A_194, %dma_wait3A_195] : memref<8x128xf32, #tpu.memory_space<vmem>> -> memref<1x128xf32, #tpu.memory_space<vmem>>
      %dma_wait3A_197 = tpu.memref_squeeze %dma_wait3A_196 : memref<1x128xf32, #tpu.memory_space<vmem>> -> memref<128xf32, #tpu.memory_space<vmem>>
      %dma_wait3A_198 = arith.constant 0 : i32
      %dma_wait3A_199 = tpu.memref_slice %arg8[%add3A_193, %dma_wait3A_198] : memref<152x128xi32, #tpu.memory_space<vmem>> -> memref<1x128xi32, #tpu.memory_space<vmem>>
      %dma_wait3A_200 = tpu.memref_squeeze %dma_wait3A_199 : memref<1x128xi32, #tpu.memory_space<vmem>> -> memref<128xi32, #tpu.memory_space<vmem>>
      %dma_wait3A_201 = arith.constant 0 : i32
      %dma_wait3A_202 = tpu.memref_slice %arg13[%dma_wait3A_201] : memref<51200xf32, #tpu.memory_space<vmem_shared>> -> memref<51200xf32, #tpu.memory_space<vmem_shared>>
      tpu.wait_indirect_dma semaphore(%arg12 : memref<!tpu.dma_semaphore, #tpu.memory_space<semaphore_mem>>) src(%dma_wait3A_197 : memref<128xf32, #tpu.memory_space<vmem>>) dst(%dma_wait3A_202 : memref<51200xf32, #tpu.memory_space<vmem_shared>>)
      %add3A_203 = arith.constant 1 : i32
      %add3A_204 = arith.addi %mul3A_58, %add3A_203 : i32
      %dma_wait3A_205 = arith.constant 1 : i32
      %dma_wait3A_206 = arith.constant 0 : i32
      %dma_wait3A_207 = tpu.memref_slice %arg9[%dma_wait3A_205, %dma_wait3A_206] : memref<8x128xf32, #tpu.memory_space<vmem>> -> memref<1x128xf32, #tpu.memory_space<vmem>>
      %dma_wait3A_208 = tpu.memref_squeeze %dma_wait3A_207 : memref<1x128xf32, #tpu.memory_space<vmem>> -> memref<128xf32, #tpu.memory_space<vmem>>
      %dma_wait3A_209 = arith.constant 0 : i32
      %dma_wait3A_210 = tpu.memref_slice %arg8[%add3A_204, %dma_wait3A_209] : memref<152x128xi32, #tpu.memory_space<vmem>> -> memref<1x128xi32, #tpu.memory_space<vmem>>
      %dma_wait3A_211 = tpu.memref_squeeze %dma_wait3A_210 : memref<1x128xi32, #tpu.memory_space<vmem>> -> memref<128xi32, #tpu.memory_space<vmem>>
      %dma_wait3A_212 = arith.constant 0 : i32
      %dma_wait3A_213 = tpu.memref_slice %arg13[%dma_wait3A_212] : memref<51200xf32, #tpu.memory_space<vmem_shared>> -> memref<51200xf32, #tpu.memory_space<vmem_shared>>
      tpu.wait_indirect_dma semaphore(%arg12 : memref<!tpu.dma_semaphore, #tpu.memory_space<semaphore_mem>>) src(%dma_wait3A_208 : memref<128xf32, #tpu.memory_space<vmem>>) dst(%dma_wait3A_213 : memref<51200xf32, #tpu.memory_space<vmem_shared>>)
      %add3A_214 = arith.constant 2 : i32
      %add3A_215 = arith.addi %mul3A_58, %add3A_214 : i32
      %dma_wait3A_216 = arith.constant 2 : i32
      %dma_wait3A_217 = arith.constant 0 : i32
      %dma_wait3A_218 = tpu.memref_slice %arg9[%dma_wait3A_216, %dma_wait3A_217] : memref<8x128xf32, #tpu.memory_space<vmem>> -> memref<1x128xf32, #tpu.memory_space<vmem>>
      %dma_wait3A_219 = tpu.memref_squeeze %dma_wait3A_218 : memref<1x128xf32, #tpu.memory_space<vmem>> -> memref<128xf32, #tpu.memory_space<vmem>>
      %dma_wait3A_220 = arith.constant 0 : i32
      %dma_wait3A_221 = tpu.memref_slice %arg8[%add3A_215, %dma_wait3A_220] : memref<152x128xi32, #tpu.memory_space<vmem>> -> memref<1x128xi32, #tpu.memory_space<vmem>>
      %dma_wait3A_222 = tpu.memref_squeeze %dma_wait3A_221 : memref<1x128xi32, #tpu.memory_space<vmem>> -> memref<128xi32, #tpu.memory_space<vmem>>
      %dma_wait3A_223 = arith.constant 0 : i32
      %dma_wait3A_224 = tpu.memref_slice %arg13[%dma_wait3A_223] : memref<51200xf32, #tpu.memory_space<vmem_shared>> -> memref<51200xf32, #tpu.memory_space<vmem_shared>>
      tpu.wait_indirect_dma semaphore(%arg12 : memref<!tpu.dma_semaphore, #tpu.memory_space<semaphore_mem>>) src(%dma_wait3A_219 : memref<128xf32, #tpu.memory_space<vmem>>) dst(%dma_wait3A_224 : memref<51200xf32, #tpu.memory_space<vmem_shared>>)
      %add3A_225 = arith.constant 3 : i32
      %add3A_226 = arith.addi %mul3A_58, %add3A_225 : i32
      %dma_wait3A_227 = arith.constant 3 : i32
      %dma_wait3A_228 = arith.constant 0 : i32
      %dma_wait3A_229 = tpu.memref_slice %arg9[%dma_wait3A_227, %dma_wait3A_228] : memref<8x128xf32, #tpu.memory_space<vmem>> -> memref<1x128xf32, #tpu.memory_space<vmem>>
      %dma_wait3A_230 = tpu.memref_squeeze %dma_wait3A_229 : memref<1x128xf32, #tpu.memory_space<vmem>> -> memref<128xf32, #tpu.memory_space<vmem>>
      %dma_wait3A_231 = arith.constant 0 : i32
      %dma_wait3A_232 = tpu.memref_slice %arg8[%add3A_226, %dma_wait3A_231] : memref<152x128xi32, #tpu.memory_space<vmem>> -> memref<1x128xi32, #tpu.memory_space<vmem>>
      %dma_wait3A_233 = tpu.memref_squeeze %dma_wait3A_232 : memref<1x128xi32, #tpu.memory_space<vmem>> -> memref<128xi32, #tpu.memory_space<vmem>>
      %dma_wait3A_234 = arith.constant 0 : i32
      %dma_wait3A_235 = tpu.memref_slice %arg13[%dma_wait3A_234] : memref<51200xf32, #tpu.memory_space<vmem_shared>> -> memref<51200xf32, #tpu.memory_space<vmem_shared>>
      tpu.wait_indirect_dma semaphore(%arg12 : memref<!tpu.dma_semaphore, #tpu.memory_space<semaphore_mem>>) src(%dma_wait3A_230 : memref<128xf32, #tpu.memory_space<vmem>>) dst(%dma_wait3A_235 : memref<51200xf32, #tpu.memory_space<vmem_shared>>)
      %add3A_236 = arith.constant 1 : i32
      %add3A_237 = arith.addi %scan3A_54, %add3A_236 : i32
      %lt3A = arith.constant 19 : i32
      %lt3A_238 = arith.cmpi slt, %add3A_237, %lt3A : i32
      %convert_element_type3A = arith.extui %lt3A_238 : i1 to i32
      %cond3A = arith.constant 0 : i32
      %cond3A_239 = arith.cmpi ne, %convert_element_type3A, %cond3A : i32
      scf.if %cond3A_239 {
        %add3A_372 = arith.constant 4 : i32
        %add3A_373 = arith.addi %add3A_60, %add3A_372 : i32
        %add3A_374 = arith.constant 0 : i32
        %add3A_375 = arith.addi %add3A_373, %add3A_374 : i32
        %dma_start3A_376 = arith.constant 0 : i32
        %dma_start3A_377 = arith.constant 0 : i32
        %dma_start3A_378 = tpu.memref_slice %arg9[%dma_start3A_376, %dma_start3A_377] : memref<8x128xf32, #tpu.memory_space<vmem>> -> memref<1x128xf32, #tpu.memory_space<vmem>>
        %dma_start3A_379 = tpu.memref_squeeze %dma_start3A_378 : memref<1x128xf32, #tpu.memory_space<vmem>> -> memref<128xf32, #tpu.memory_space<vmem>>
        %dma_start3A_380 = arith.constant 0 : i32
        %dma_start3A_381 = tpu.memref_slice %arg7[%add3A_375, %dma_start3A_380] : memref<152x128xi32, #tpu.memory_space<vmem>> -> memref<1x128xi32, #tpu.memory_space<vmem>>
        %dma_start3A_382 = tpu.memref_squeeze %dma_start3A_381 : memref<1x128xi32, #tpu.memory_space<vmem>> -> memref<128xi32, #tpu.memory_space<vmem>>
        %dma_start3A_383 = arith.constant 0 : i32
        %dma_start3A_384 = tpu.memref_slice %arg4[%dma_start3A_383] : memref<71680xf32, #tpu.memory_space<hbm>> -> memref<71680xf32, #tpu.memory_space<hbm>>
        tpu.enqueue_indirect_dma source(%dma_start3A_384 : memref<71680xf32, #tpu.memory_space<hbm>>) target(%dma_start3A_379 : memref<128xf32, #tpu.memory_space<vmem>>) offsets(%dma_start3A_382 : memref<128xi32, #tpu.memory_space<vmem>>) semaphore(%arg10 : memref<!tpu.dma_semaphore, #tpu.memory_space<semaphore_mem>>)
        %add3A_385 = arith.constant 4 : i32
        %add3A_386 = arith.addi %add3A_60, %add3A_385 : i32
        %add3A_387 = arith.constant 1 : i32
        %add3A_388 = arith.addi %add3A_386, %add3A_387 : i32
        %dma_start3A_389 = arith.constant 1 : i32
        %dma_start3A_390 = arith.constant 0 : i32
        %dma_start3A_391 = tpu.memref_slice %arg9[%dma_start3A_389, %dma_start3A_390] : memref<8x128xf32, #tpu.memory_space<vmem>> -> memref<1x128xf32, #tpu.memory_space<vmem>>
        %dma_start3A_392 = tpu.memref_squeeze %dma_start3A_391 : memref<1x128xf32, #tpu.memory_space<vmem>> -> memref<128xf32, #tpu.memory_space<vmem>>
        %dma_start3A_393 = arith.constant 0 : i32
        %dma_start3A_394 = tpu.memref_slice %arg7[%add3A_388, %dma_start3A_393] : memref<152x128xi32, #tpu.memory_space<vmem>> -> memref<1x128xi32, #tpu.memory_space<vmem>>
        %dma_start3A_395 = tpu.memref_squeeze %dma_start3A_394 : memref<1x128xi32, #tpu.memory_space<vmem>> -> memref<128xi32, #tpu.memory_space<vmem>>
        %dma_start3A_396 = arith.constant 0 : i32
        %dma_start3A_397 = tpu.memref_slice %arg4[%dma_start3A_396] : memref<71680xf32, #tpu.memory_space<hbm>> -> memref<71680xf32, #tpu.memory_space<hbm>>
        tpu.enqueue_indirect_dma source(%dma_start3A_397 : memref<71680xf32, #tpu.memory_space<hbm>>) target(%dma_start3A_392 : memref<128xf32, #tpu.memory_space<vmem>>) offsets(%dma_start3A_395 : memref<128xi32, #tpu.memory_space<vmem>>) semaphore(%arg10 : memref<!tpu.dma_semaphore, #tpu.memory_space<semaphore_mem>>)
        %add3A_398 = arith.constant 4 : i32
        %add3A_399 = arith.addi %add3A_60, %add3A_398 : i32
        %add3A_400 = arith.constant 2 : i32
        %add3A_401 = arith.addi %add3A_399, %add3A_400 : i32
        %dma_start3A_402 = arith.constant 2 : i32
        %dma_start3A_403 = arith.constant 0 : i32
        %dma_start3A_404 = tpu.memref_slice %arg9[%dma_start3A_402, %dma_start3A_403] : memref<8x128xf32, #tpu.memory_space<vmem>> -> memref<1x128xf32, #tpu.memory_space<vmem>>
        %dma_start3A_405 = tpu.memref_squeeze %dma_start3A_404 : memref<1x128xf32, #tpu.memory_space<vmem>> -> memref<128xf32, #tpu.memory_space<vmem>>
        %dma_start3A_406 = arith.constant 0 : i32
        %dma_start3A_407 = tpu.memref_slice %arg7[%add3A_401, %dma_start3A_406] : memref<152x128xi32, #tpu.memory_space<vmem>> -> memref<1x128xi32, #tpu.memory_space<vmem>>
        %dma_start3A_408 = tpu.memref_squeeze %dma_start3A_407 : memref<1x128xi32, #tpu.memory_space<vmem>> -> memref<128xi32, #tpu.memory_space<vmem>>
        %dma_start3A_409 = arith.constant 0 : i32
        %dma_start3A_410 = tpu.memref_slice %arg4[%dma_start3A_409] : memref<71680xf32, #tpu.memory_space<hbm>> -> memref<71680xf32, #tpu.memory_space<hbm>>
        tpu.enqueue_indirect_dma source(%dma_start3A_410 : memref<71680xf32, #tpu.memory_space<hbm>>) target(%dma_start3A_405 : memref<128xf32, #tpu.memory_space<vmem>>) offsets(%dma_start3A_408 : memref<128xi32, #tpu.memory_space<vmem>>) semaphore(%arg10 : memref<!tpu.dma_semaphore, #tpu.memory_space<semaphore_mem>>)
        %add3A_411 = arith.constant 4 : i32
        %add3A_412 = arith.addi %add3A_60, %add3A_411 : i32
        %add3A_413 = arith.constant 3 : i32
        %add3A_414 = arith.addi %add3A_412, %add3A_413 : i32
        %dma_start3A_415 = arith.constant 3 : i32
        %dma_start3A_416 = arith.constant 0 : i32
        %dma_start3A_417 = tpu.memref_slice %arg9[%dma_start3A_415, %dma_start3A_416] : memref<8x128xf32, #tpu.memory_space<vmem>> -> memref<1x128xf32, #tpu.memory_space<vmem>>
        %dma_start3A_418 = tpu.memref_squeeze %dma_start3A_417 : memref<1x128xf32, #tpu.memory_space<vmem>> -> memref<128xf32, #tpu.memory_space<vmem>>
        %dma_start3A_419 = arith.constant 0 : i32
        %dma_start3A_420 = tpu.memref_slice %arg7[%add3A_414, %dma_start3A_419] : memref<152x128xi32, #tpu.memory_space<vmem>> -> memref<1x128xi32, #tpu.memory_space<vmem>>
        %dma_start3A_421 = tpu.memref_squeeze %dma_start3A_420 : memref<1x128xi32, #tpu.memory_space<vmem>> -> memref<128xi32, #tpu.memory_space<vmem>>
        %dma_start3A_422 = arith.constant 0 : i32
        %dma_start3A_423 = tpu.memref_slice %arg4[%dma_start3A_422] : memref<71680xf32, #tpu.memory_space<hbm>> -> memref<71680xf32, #tpu.memory_space<hbm>>
        tpu.enqueue_indirect_dma source(%dma_start3A_423 : memref<71680xf32, #tpu.memory_space<hbm>>) target(%dma_start3A_418 : memref<128xf32, #tpu.memory_space<vmem>>) offsets(%dma_start3A_421 : memref<128xi32, #tpu.memory_space<vmem>>) semaphore(%arg10 : memref<!tpu.dma_semaphore, #tpu.memory_space<semaphore_mem>>)
      } else {
      }
      %add3A_240 = arith.constant 0 : i32
      %add3A_241 = arith.addi %add3A_60, %add3A_240 : i32
      %dma_wait3A_242 = arith.constant 4 : i32
      %dma_wait3A_243 = arith.constant 0 : i32
      %dma_wait3A_244 = tpu.memref_slice %arg9[%dma_wait3A_242, %dma_wait3A_243] : memref<8x128xf32, #tpu.memory_space<vmem>> -> memref<1x128xf32, #tpu.memory_space<vmem>>
      %dma_wait3A_245 = tpu.memref_squeeze %dma_wait3A_244 : memref<1x128xf32, #tpu.memory_space<vmem>> -> memref<128xf32, #tpu.memory_space<vmem>>
      %dma_wait3A_246 = arith.constant 0 : i32
      %dma_wait3A_247 = tpu.memref_slice %arg7[%add3A_241, %dma_wait3A_246] : memref<152x128xi32, #tpu.memory_space<vmem>> -> memref<1x128xi32, #tpu.memory_space<vmem>>
      %dma_wait3A_248 = tpu.memref_squeeze %dma_wait3A_247 : memref<1x128xi32, #tpu.memory_space<vmem>> -> memref<128xi32, #tpu.memory_space<vmem>>
      %dma_wait3A_249 = arith.constant 0 : i32
      %dma_wait3A_250 = tpu.memref_slice %arg4[%dma_wait3A_249] : memref<71680xf32, #tpu.memory_space<hbm>> -> memref<71680xf32, #tpu.memory_space<hbm>>
      tpu.wait_indirect_dma semaphore(%arg11 : memref<!tpu.dma_semaphore, #tpu.memory_space<semaphore_mem>>) src(%dma_wait3A_250 : memref<71680xf32, #tpu.memory_space<hbm>>) dst(%dma_wait3A_245 : memref<128xf32, #tpu.memory_space<vmem>>)
      %add3A_251 = arith.constant 1 : i32
      %add3A_252 = arith.addi %add3A_60, %add3A_251 : i32
      %dma_wait3A_253 = arith.constant 5 : i32
      %dma_wait3A_254 = arith.constant 0 : i32
      %dma_wait3A_255 = tpu.memref_slice %arg9[%dma_wait3A_253, %dma_wait3A_254] : memref<8x128xf32, #tpu.memory_space<vmem>> -> memref<1x128xf32, #tpu.memory_space<vmem>>
      %dma_wait3A_256 = tpu.memref_squeeze %dma_wait3A_255 : memref<1x128xf32, #tpu.memory_space<vmem>> -> memref<128xf32, #tpu.memory_space<vmem>>
      %dma_wait3A_257 = arith.constant 0 : i32
      %dma_wait3A_258 = tpu.memref_slice %arg7[%add3A_252, %dma_wait3A_257] : memref<152x128xi32, #tpu.memory_space<vmem>> -> memref<1x128xi32, #tpu.memory_space<vmem>>
      %dma_wait3A_259 = tpu.memref_squeeze %dma_wait3A_258 : memref<1x128xi32, #tpu.memory_space<vmem>> -> memref<128xi32, #tpu.memory_space<vmem>>
      %dma_wait3A_260 = arith.constant 0 : i32
      %dma_wait3A_261 = tpu.memref_slice %arg4[%dma_wait3A_260] : memref<71680xf32, #tpu.memory_space<hbm>> -> memref<71680xf32, #tpu.memory_space<hbm>>
      tpu.wait_indirect_dma semaphore(%arg11 : memref<!tpu.dma_semaphore, #tpu.memory_space<semaphore_mem>>) src(%dma_wait3A_261 : memref<71680xf32, #tpu.memory_space<hbm>>) dst(%dma_wait3A_256 : memref<128xf32, #tpu.memory_space<vmem>>)
      %add3A_262 = arith.constant 2 : i32
      %add3A_263 = arith.addi %add3A_60, %add3A_262 : i32
      %dma_wait3A_264 = arith.constant 6 : i32
      %dma_wait3A_265 = arith.constant 0 : i32
      %dma_wait3A_266 = tpu.memref_slice %arg9[%dma_wait3A_264, %dma_wait3A_265] : memref<8x128xf32, #tpu.memory_space<vmem>> -> memref<1x128xf32, #tpu.memory_space<vmem>>
      %dma_wait3A_267 = tpu.memref_squeeze %dma_wait3A_266 : memref<1x128xf32, #tpu.memory_space<vmem>> -> memref<128xf32, #tpu.memory_space<vmem>>
      %dma_wait3A_268 = arith.constant 0 : i32
      %dma_wait3A_269 = tpu.memref_slice %arg7[%add3A_263, %dma_wait3A_268] : memref<152x128xi32, #tpu.memory_space<vmem>> -> memref<1x128xi32, #tpu.memory_space<vmem>>
      %dma_wait3A_270 = tpu.memref_squeeze %dma_wait3A_269 : memref<1x128xi32, #tpu.memory_space<vmem>> -> memref<128xi32, #tpu.memory_space<vmem>>
      %dma_wait3A_271 = arith.constant 0 : i32
      %dma_wait3A_272 = tpu.memref_slice %arg4[%dma_wait3A_271] : memref<71680xf32, #tpu.memory_space<hbm>> -> memref<71680xf32, #tpu.memory_space<hbm>>
      tpu.wait_indirect_dma semaphore(%arg11 : memref<!tpu.dma_semaphore, #tpu.memory_space<semaphore_mem>>) src(%dma_wait3A_272 : memref<71680xf32, #tpu.memory_space<hbm>>) dst(%dma_wait3A_267 : memref<128xf32, #tpu.memory_space<vmem>>)
      %add3A_273 = arith.constant 3 : i32
      %add3A_274 = arith.addi %add3A_60, %add3A_273 : i32
      %dma_wait3A_275 = arith.constant 7 : i32
      %dma_wait3A_276 = arith.constant 0 : i32
      %dma_wait3A_277 = tpu.memref_slice %arg9[%dma_wait3A_275, %dma_wait3A_276] : memref<8x128xf32, #tpu.memory_space<vmem>> -> memref<1x128xf32, #tpu.memory_space<vmem>>
      %dma_wait3A_278 = tpu.memref_squeeze %dma_wait3A_277 : memref<1x128xf32, #tpu.memory_space<vmem>> -> memref<128xf32, #tpu.memory_space<vmem>>
      %dma_wait3A_279 = arith.constant 0 : i32
      %dma_wait3A_280 = tpu.memref_slice %arg7[%add3A_274, %dma_wait3A_279] : memref<152x128xi32, #tpu.memory_space<vmem>> -> memref<1x128xi32, #tpu.memory_space<vmem>>
      %dma_wait3A_281 = tpu.memref_squeeze %dma_wait3A_280 : memref<1x128xi32, #tpu.memory_space<vmem>> -> memref<128xi32, #tpu.memory_space<vmem>>
      %dma_wait3A_282 = arith.constant 0 : i32
      %dma_wait3A_283 = tpu.memref_slice %arg4[%dma_wait3A_282] : memref<71680xf32, #tpu.memory_space<hbm>> -> memref<71680xf32, #tpu.memory_space<hbm>>
      tpu.wait_indirect_dma semaphore(%arg11 : memref<!tpu.dma_semaphore, #tpu.memory_space<semaphore_mem>>) src(%dma_wait3A_283 : memref<71680xf32, #tpu.memory_space<hbm>>) dst(%dma_wait3A_278 : memref<128xf32, #tpu.memory_space<vmem>>)
      %add3A_284 = arith.constant 0 : i32
      %add3A_285 = arith.addi %add3A_60, %add3A_284 : i32
      %dma_start3A_286 = arith.constant 4 : i32
      %dma_start3A_287 = arith.constant 0 : i32
      %dma_start3A_288 = tpu.memref_slice %arg9[%dma_start3A_286, %dma_start3A_287] : memref<8x128xf32, #tpu.memory_space<vmem>> -> memref<1x128xf32, #tpu.memory_space<vmem>>
      %dma_start3A_289 = tpu.memref_squeeze %dma_start3A_288 : memref<1x128xf32, #tpu.memory_space<vmem>> -> memref<128xf32, #tpu.memory_space<vmem>>
      %dma_start3A_290 = arith.constant 0 : i32
      %dma_start3A_291 = tpu.memref_slice %arg8[%add3A_285, %dma_start3A_290] : memref<152x128xi32, #tpu.memory_space<vmem>> -> memref<1x128xi32, #tpu.memory_space<vmem>>
      %dma_start3A_292 = tpu.memref_squeeze %dma_start3A_291 : memref<1x128xi32, #tpu.memory_space<vmem>> -> memref<128xi32, #tpu.memory_space<vmem>>
      %dma_start3A_293 = arith.constant 0 : i32
      %dma_start3A_294 = tpu.memref_slice %arg13[%dma_start3A_293] : memref<51200xf32, #tpu.memory_space<vmem_shared>> -> memref<51200xf32, #tpu.memory_space<vmem_shared>>
      tpu.enqueue_indirect_dma source(%dma_start3A_289 : memref<128xf32, #tpu.memory_space<vmem>>) target(%dma_start3A_294 : memref<51200xf32, #tpu.memory_space<vmem_shared>>) offsets(%dma_start3A_292 : memref<128xi32, #tpu.memory_space<vmem>>) semaphore(%arg12 : memref<!tpu.dma_semaphore, #tpu.memory_space<semaphore_mem>>) {add = true}
      %add3A_295 = arith.constant 1 : i32
      %add3A_296 = arith.addi %add3A_60, %add3A_295 : i32
      %dma_start3A_297 = arith.constant 5 : i32
      %dma_start3A_298 = arith.constant 0 : i32
      %dma_start3A_299 = tpu.memref_slice %arg9[%dma_start3A_297, %dma_start3A_298] : memref<8x128xf32, #tpu.memory_space<vmem>> -> memref<1x128xf32, #tpu.memory_space<vmem>>
      %dma_start3A_300 = tpu.memref_squeeze %dma_start3A_299 : memref<1x128xf32, #tpu.memory_space<vmem>> -> memref<128xf32, #tpu.memory_space<vmem>>
      %dma_start3A_301 = arith.constant 0 : i32
      %dma_start3A_302 = tpu.memref_slice %arg8[%add3A_296, %dma_start3A_301] : memref<152x128xi32, #tpu.memory_space<vmem>> -> memref<1x128xi32, #tpu.memory_space<vmem>>
      %dma_start3A_303 = tpu.memref_squeeze %dma_start3A_302 : memref<1x128xi32, #tpu.memory_space<vmem>> -> memref<128xi32, #tpu.memory_space<vmem>>
      %dma_start3A_304 = arith.constant 0 : i32
      %dma_start3A_305 = tpu.memref_slice %arg13[%dma_start3A_304] : memref<51200xf32, #tpu.memory_space<vmem_shared>> -> memref<51200xf32, #tpu.memory_space<vmem_shared>>
      tpu.enqueue_indirect_dma source(%dma_start3A_300 : memref<128xf32, #tpu.memory_space<vmem>>) target(%dma_start3A_305 : memref<51200xf32, #tpu.memory_space<vmem_shared>>) offsets(%dma_start3A_303 : memref<128xi32, #tpu.memory_space<vmem>>) semaphore(%arg12 : memref<!tpu.dma_semaphore, #tpu.memory_space<semaphore_mem>>) {add = true}
      %add3A_306 = arith.constant 2 : i32
      %add3A_307 = arith.addi %add3A_60, %add3A_306 : i32
      %dma_start3A_308 = arith.constant 6 : i32
      %dma_start3A_309 = arith.constant 0 : i32
      %dma_start3A_310 = tpu.memref_slice %arg9[%dma_start3A_308, %dma_start3A_309] : memref<8x128xf32, #tpu.memory_space<vmem>> -> memref<1x128xf32, #tpu.memory_space<vmem>>
      %dma_start3A_311 = tpu.memref_squeeze %dma_start3A_310 : memref<1x128xf32, #tpu.memory_space<vmem>> -> memref<128xf32, #tpu.memory_space<vmem>>
      %dma_start3A_312 = arith.constant 0 : i32
      %dma_start3A_313 = tpu.memref_slice %arg8[%add3A_307, %dma_start3A_312] : memref<152x128xi32, #tpu.memory_space<vmem>> -> memref<1x128xi32, #tpu.memory_space<vmem>>
      %dma_start3A_314 = tpu.memref_squeeze %dma_start3A_313 : memref<1x128xi32, #tpu.memory_space<vmem>> -> memref<128xi32, #tpu.memory_space<vmem>>
      %dma_start3A_315 = arith.constant 0 : i32
      %dma_start3A_316 = tpu.memref_slice %arg13[%dma_start3A_315] : memref<51200xf32, #tpu.memory_space<vmem_shared>> -> memref<51200xf32, #tpu.memory_space<vmem_shared>>
      tpu.enqueue_indirect_dma source(%dma_start3A_311 : memref<128xf32, #tpu.memory_space<vmem>>) target(%dma_start3A_316 : memref<51200xf32, #tpu.memory_space<vmem_shared>>) offsets(%dma_start3A_314 : memref<128xi32, #tpu.memory_space<vmem>>) semaphore(%arg12 : memref<!tpu.dma_semaphore, #tpu.memory_space<semaphore_mem>>) {add = true}
      %add3A_317 = arith.constant 3 : i32
      %add3A_318 = arith.addi %add3A_60, %add3A_317 : i32
      %dma_start3A_319 = arith.constant 7 : i32
      %dma_start3A_320 = arith.constant 0 : i32
      %dma_start3A_321 = tpu.memref_slice %arg9[%dma_start3A_319, %dma_start3A_320] : memref<8x128xf32, #tpu.memory_space<vmem>> -> memref<1x128xf32, #tpu.memory_space<vmem>>
      %dma_start3A_322 = tpu.memref_squeeze %dma_start3A_321 : memref<1x128xf32, #tpu.memory_space<vmem>> -> memref<128xf32, #tpu.memory_space<vmem>>
      %dma_start3A_323 = arith.constant 0 : i32
      %dma_start3A_324 = tpu.memref_slice %arg8[%add3A_318, %dma_start3A_323] : memref<152x128xi32, #tpu.memory_space<vmem>> -> memref<1x128xi32, #tpu.memory_space<vmem>>
      %dma_start3A_325 = tpu.memref_squeeze %dma_start3A_324 : memref<1x128xi32, #tpu.memory_space<vmem>> -> memref<128xi32, #tpu.memory_space<vmem>>
      %dma_start3A_326 = arith.constant 0 : i32
      %dma_start3A_327 = tpu.memref_slice %arg13[%dma_start3A_326] : memref<51200xf32, #tpu.memory_space<vmem_shared>> -> memref<51200xf32, #tpu.memory_space<vmem_shared>>
      tpu.enqueue_indirect_dma source(%dma_start3A_322 : memref<128xf32, #tpu.memory_space<vmem>>) target(%dma_start3A_327 : memref<51200xf32, #tpu.memory_space<vmem_shared>>) offsets(%dma_start3A_325 : memref<128xi32, #tpu.memory_space<vmem>>) semaphore(%arg12 : memref<!tpu.dma_semaphore, #tpu.memory_space<semaphore_mem>>) {add = true}
      %add3A_328 = arith.constant 0 : i32
      %add3A_329 = arith.addi %add3A_60, %add3A_328 : i32
      %dma_wait3A_330 = arith.constant 4 : i32
      %dma_wait3A_331 = arith.constant 0 : i32
      %dma_wait3A_332 = tpu.memref_slice %arg9[%dma_wait3A_330, %dma_wait3A_331] : memref<8x128xf32, #tpu.memory_space<vmem>> -> memref<1x128xf32, #tpu.memory_space<vmem>>
      %dma_wait3A_333 = tpu.memref_squeeze %dma_wait3A_332 : memref<1x128xf32, #tpu.memory_space<vmem>> -> memref<128xf32, #tpu.memory_space<vmem>>
      %dma_wait3A_334 = arith.constant 0 : i32
      %dma_wait3A_335 = tpu.memref_slice %arg8[%add3A_329, %dma_wait3A_334] : memref<152x128xi32, #tpu.memory_space<vmem>> -> memref<1x128xi32, #tpu.memory_space<vmem>>
      %dma_wait3A_336 = tpu.memref_squeeze %dma_wait3A_335 : memref<1x128xi32, #tpu.memory_space<vmem>> -> memref<128xi32, #tpu.memory_space<vmem>>
      %dma_wait3A_337 = arith.constant 0 : i32
      %dma_wait3A_338 = tpu.memref_slice %arg13[%dma_wait3A_337] : memref<51200xf32, #tpu.memory_space<vmem_shared>> -> memref<51200xf32, #tpu.memory_space<vmem_shared>>
      tpu.wait_indirect_dma semaphore(%arg12 : memref<!tpu.dma_semaphore, #tpu.memory_space<semaphore_mem>>) src(%dma_wait3A_333 : memref<128xf32, #tpu.memory_space<vmem>>) dst(%dma_wait3A_338 : memref<51200xf32, #tpu.memory_space<vmem_shared>>)
      %add3A_339 = arith.constant 1 : i32
      %add3A_340 = arith.addi %add3A_60, %add3A_339 : i32
      %dma_wait3A_341 = arith.constant 5 : i32
      %dma_wait3A_342 = arith.constant 0 : i32
      %dma_wait3A_343 = tpu.memref_slice %arg9[%dma_wait3A_341, %dma_wait3A_342] : memref<8x128xf32, #tpu.memory_space<vmem>> -> memref<1x128xf32, #tpu.memory_space<vmem>>
      %dma_wait3A_344 = tpu.memref_squeeze %dma_wait3A_343 : memref<1x128xf32, #tpu.memory_space<vmem>> -> memref<128xf32, #tpu.memory_space<vmem>>
      %dma_wait3A_345 = arith.constant 0 : i32
      %dma_wait3A_346 = tpu.memref_slice %arg8[%add3A_340, %dma_wait3A_345] : memref<152x128xi32, #tpu.memory_space<vmem>> -> memref<1x128xi32, #tpu.memory_space<vmem>>
      %dma_wait3A_347 = tpu.memref_squeeze %dma_wait3A_346 : memref<1x128xi32, #tpu.memory_space<vmem>> -> memref<128xi32, #tpu.memory_space<vmem>>
      %dma_wait3A_348 = arith.constant 0 : i32
      %dma_wait3A_349 = tpu.memref_slice %arg13[%dma_wait3A_348] : memref<51200xf32, #tpu.memory_space<vmem_shared>> -> memref<51200xf32, #tpu.memory_space<vmem_shared>>
      tpu.wait_indirect_dma semaphore(%arg12 : memref<!tpu.dma_semaphore, #tpu.memory_space<semaphore_mem>>) src(%dma_wait3A_344 : memref<128xf32, #tpu.memory_space<vmem>>) dst(%dma_wait3A_349 : memref<51200xf32, #tpu.memory_space<vmem_shared>>)
      %add3A_350 = arith.constant 2 : i32
      %add3A_351 = arith.addi %add3A_60, %add3A_350 : i32
      %dma_wait3A_352 = arith.constant 6 : i32
      %dma_wait3A_353 = arith.constant 0 : i32
      %dma_wait3A_354 = tpu.memref_slice %arg9[%dma_wait3A_352, %dma_wait3A_353] : memref<8x128xf32, #tpu.memory_space<vmem>> -> memref<1x128xf32, #tpu.memory_space<vmem>>
      %dma_wait3A_355 = tpu.memref_squeeze %dma_wait3A_354 : memref<1x128xf32, #tpu.memory_space<vmem>> -> memref<128xf32, #tpu.memory_space<vmem>>
      %dma_wait3A_356 = arith.constant 0 : i32
      %dma_wait3A_357 = tpu.memref_slice %arg8[%add3A_351, %dma_wait3A_356] : memref<152x128xi32, #tpu.memory_space<vmem>> -> memref<1x128xi32, #tpu.memory_space<vmem>>
      %dma_wait3A_358 = tpu.memref_squeeze %dma_wait3A_357 : memref<1x128xi32, #tpu.memory_space<vmem>> -> memref<128xi32, #tpu.memory_space<vmem>>
      %dma_wait3A_359 = arith.constant 0 : i32
      %dma_wait3A_360 = tpu.memref_slice %arg13[%dma_wait3A_359] : memref<51200xf32, #tpu.memory_space<vmem_shared>> -> memref<51200xf32, #tpu.memory_space<vmem_shared>>
      tpu.wait_indirect_dma semaphore(%arg12 : memref<!tpu.dma_semaphore, #tpu.memory_space<semaphore_mem>>) src(%dma_wait3A_355 : memref<128xf32, #tpu.memory_space<vmem>>) dst(%dma_wait3A_360 : memref<51200xf32, #tpu.memory_space<vmem_shared>>)
      %add3A_361 = arith.constant 3 : i32
      %add3A_362 = arith.addi %add3A_60, %add3A_361 : i32
      %dma_wait3A_363 = arith.constant 7 : i32
      %dma_wait3A_364 = arith.constant 0 : i32
      %dma_wait3A_365 = tpu.memref_slice %arg9[%dma_wait3A_363, %dma_wait3A_364] : memref<8x128xf32, #tpu.memory_space<vmem>> -> memref<1x128xf32, #tpu.memory_space<vmem>>
      %dma_wait3A_366 = tpu.memref_squeeze %dma_wait3A_365 : memref<1x128xf32, #tpu.memory_space<vmem>> -> memref<128xf32, #tpu.memory_space<vmem>>
      %dma_wait3A_367 = arith.constant 0 : i32
      %dma_wait3A_368 = tpu.memref_slice %arg8[%add3A_362, %dma_wait3A_367] : memref<152x128xi32, #tpu.memory_space<vmem>> -> memref<1x128xi32, #tpu.memory_space<vmem>>
      %dma_wait3A_369 = tpu.memref_squeeze %dma_wait3A_368 : memref<1x128xi32, #tpu.memory_space<vmem>> -> memref<128xi32, #tpu.memory_space<vmem>>
      %dma_wait3A_370 = arith.constant 0 : i32
      %dma_wait3A_371 = tpu.memref_slice %arg13[%dma_wait3A_370] : memref<51200xf32, #tpu.memory_space<vmem_shared>> -> memref<51200xf32, #tpu.memory_space<vmem_shared>>
      tpu.wait_indirect_dma semaphore(%arg12 : memref<!tpu.dma_semaphore, #tpu.memory_space<semaphore_mem>>) src(%dma_wait3A_366 : memref<128xf32, #tpu.memory_space<vmem>>) dst(%dma_wait3A_371 : memref<51200xf32, #tpu.memory_space<vmem_shared>>)
    }
    %scan3A_48 = arith.constant 19 : i32
    %barrier3A_49 = arith.constant 0 : index
    tpu.barrier barrier_id(%barrier3A_49)
    %mul3A_50 = arith.constant 3200 : i32
    %mul3A_51 = arith.muli %arg1, %mul3A_50 : i32
    %mul3A_52 = arith.constant 3200 : i32
    %mul3A_53 = arith.muli %arg1, %mul3A_52 : i32
    "tpu.region"() ({
      %run_scoped3A = tpu.sem_alloc : memref<!tpu.dma_semaphore, #tpu.memory_space<semaphore_mem>>
      %dma_start3A_54 = arith.constant 0 : i32
      %dma_start3A_55 = tpu.memref_slice %arg6[%arg0, %dma_start3A_54] : memref<2x51200xf32, #tpu.memory_space<hbm>> -> memref<1x51200xf32, #tpu.memory_space<hbm>>
      %dma_start3A_56 = tpu.memref_squeeze %dma_start3A_55 : memref<1x51200xf32, #tpu.memory_space<hbm>> -> memref<51200xf32, #tpu.memory_space<hbm>>
      %dma_start3A_57 = tpu.memref_slice %dma_start3A_56[%mul3A_53] : memref<51200xf32, #tpu.memory_space<hbm>> -> memref<3200xf32, #tpu.memory_space<hbm>>
      %dma_start3A_58 = tpu.memref_slice %arg13[%mul3A_51] : memref<51200xf32, #tpu.memory_space<vmem_shared>> -> memref<3200xf32, #tpu.memory_space<vmem_shared>>
      tpu.enqueue_dma source(%dma_start3A_58 : memref<3200xf32, #tpu.memory_space<vmem_shared>>) target(%dma_start3A_57 : memref<3200xf32, #tpu.memory_space<hbm>>) target_semaphore(%run_scoped3A : memref<!tpu.dma_semaphore, #tpu.memory_space<semaphore_mem>>)
      %dma_wait3A = arith.constant 0 : i32
      %dma_wait3A_59 = tpu.memref_slice %arg6[%arg0, %dma_wait3A] : memref<2x51200xf32, #tpu.memory_space<hbm>> -> memref<1x51200xf32, #tpu.memory_space<hbm>>
      %dma_wait3A_60 = tpu.memref_squeeze %dma_wait3A_59 : memref<1x51200xf32, #tpu.memory_space<hbm>> -> memref<51200xf32, #tpu.memory_space<hbm>>
      %dma_wait3A_61 = tpu.memref_slice %dma_wait3A_60[%mul3A_53] : memref<51200xf32, #tpu.memory_space<hbm>> -> memref<3200xf32, #tpu.memory_space<hbm>>
      %dma_wait3A_62 = tpu.memref_slice %arg13[%mul3A_51] : memref<51200xf32, #tpu.memory_space<vmem_shared>> -> memref<3200xf32, #tpu.memory_space<vmem_shared>>
      tpu.wait_dma2 semaphore(%run_scoped3A : memref<!tpu.dma_semaphore, #tpu.memory_space<semaphore_mem>>) src(%dma_wait3A_62 : memref<3200xf32, #tpu.memory_space<vmem_shared>>) dst(%dma_wait3A_61 : memref<3200xf32, #tpu.memory_space<hbm>>)
      tpu.yield
    }) : () -> ()
    return
  }
}

#map = affine_map<(d0, d1) -> (0, 0, 0)>
#map1 = affine_map<(d0, d1) -> (0)>
#map2 = affine_map<(d0, d1) -> (0, 0)>
module attributes {stable_mosaic.version = 14 : i64} {
  func.func @_sc_count(%arg0: i32, %arg1: i32, %arg2: memref<32x152x128xi32, #tpu.memory_space<hbm>>, %arg3: memref<51200xf32, #tpu.memory_space<hbm>>, %arg4: memref<128xf32, #tpu.memory_space<hbm>>, %arg5: memref<2x51200xf32, #tpu.memory_space<hbm>>, %arg6: memref<152x128xi32, #tpu.memory_space<vmem>>, %arg7: memref<128xf32, #tpu.memory_space<vmem>>, %arg8: memref<!tpu.dma_semaphore, #tpu.memory_space<semaphore_mem>>, %arg9: memref<51200xf32, #tpu.memory_space<vmem_shared>>) attributes {dimension_semantics = [#tpu.dimension_semantics<core_parallel>, #tpu.dimension_semantics<subcore_parallel>], iteration_bounds = array<i64: 2, 16>, scalar_prefetch = 0 : i64, scratch_operands = 4 : i64, tpu.core_type = #tpu.core_type<sc_vector_subcore>, window_params = [{transform_indices = #map}, {transform_indices = #map1}, {transform_indices = #map1}, {transform_indices = #map2}]} {
    %mul3A = arith.constant 16 : i32
    %mul3A_0 = arith.muli %arg0, %mul3A : i32
    %add3A = arith.addi %mul3A_0, %arg1 : i32
    %mul3A_1 = arith.constant 3200 : i32
    %mul3A_2 = arith.muli %arg1, %mul3A_1 : i32
    %mul3A_3 = arith.constant 3200 : i32
    %mul3A_4 = arith.muli %arg1, %mul3A_3 : i32
    "tpu.region"() ({
      %run_scoped3A = tpu.sem_alloc : memref<!tpu.dma_semaphore, #tpu.memory_space<semaphore_mem>>
      %dma_start3A = tpu.memref_slice %arg9[%mul3A_4] : memref<51200xf32, #tpu.memory_space<vmem_shared>> -> memref<3200xf32, #tpu.memory_space<vmem_shared>>
      %dma_start3A_15 = tpu.memref_slice %arg3[%mul3A_2] : memref<51200xf32, #tpu.memory_space<hbm>> -> memref<3200xf32, #tpu.memory_space<hbm>>
      tpu.enqueue_dma source(%dma_start3A_15 : memref<3200xf32, #tpu.memory_space<hbm>>) target(%dma_start3A : memref<3200xf32, #tpu.memory_space<vmem_shared>>) target_semaphore(%run_scoped3A : memref<!tpu.dma_semaphore, #tpu.memory_space<semaphore_mem>>)
      %dma_wait3A = tpu.memref_slice %arg9[%mul3A_4] : memref<51200xf32, #tpu.memory_space<vmem_shared>> -> memref<3200xf32, #tpu.memory_space<vmem_shared>>
      %dma_wait3A_16 = tpu.memref_slice %arg3[%mul3A_2] : memref<51200xf32, #tpu.memory_space<hbm>> -> memref<3200xf32, #tpu.memory_space<hbm>>
      tpu.wait_dma2 semaphore(%run_scoped3A : memref<!tpu.dma_semaphore, #tpu.memory_space<semaphore_mem>>) src(%dma_wait3A_16 : memref<3200xf32, #tpu.memory_space<hbm>>) dst(%dma_wait3A : memref<3200xf32, #tpu.memory_space<vmem_shared>>)
      tpu.yield
    }) : () -> ()
    "tpu.region"() ({
      %run_scoped3A = tpu.sem_alloc : memref<!tpu.dma_semaphore, #tpu.memory_space<semaphore_mem>>
      tpu.enqueue_dma source(%arg4 : memref<128xf32, #tpu.memory_space<hbm>>) target(%arg7 : memref<128xf32, #tpu.memory_space<vmem>>) target_semaphore(%run_scoped3A : memref<!tpu.dma_semaphore, #tpu.memory_space<semaphore_mem>>)
      tpu.wait_dma2 semaphore(%run_scoped3A : memref<!tpu.dma_semaphore, #tpu.memory_space<semaphore_mem>>) src(%arg4 : memref<128xf32, #tpu.memory_space<hbm>>) dst(%arg7 : memref<128xf32, #tpu.memory_space<vmem>>)
      tpu.yield
    }) : () -> ()
    "tpu.region"() ({
      %run_scoped3A = tpu.sem_alloc : memref<!tpu.dma_semaphore, #tpu.memory_space<semaphore_mem>>
      %dma_start3A = arith.constant 0 : i32
      %dma_start3A_15 = arith.constant 0 : i32
      %dma_start3A_16 = tpu.memref_slice %arg2[%add3A, %dma_start3A, %dma_start3A_15] : memref<32x152x128xi32, #tpu.memory_space<hbm>> -> memref<1x152x128xi32, #tpu.memory_space<hbm>>
      %dma_start3A_17 = tpu.memref_squeeze %dma_start3A_16 : memref<1x152x128xi32, #tpu.memory_space<hbm>> -> memref<152x128xi32, #tpu.memory_space<hbm>>
      %dma_start3A_18 = arith.constant 0 : i32
      %dma_start3A_19 = arith.constant 0 : i32
      %dma_start3A_20 = tpu.memref_slice %arg2[%add3A, %dma_start3A_18, %dma_start3A_19] : memref<32x152x128xi32, #tpu.memory_space<hbm>> -> memref<1x152x128xi32, #tpu.memory_space<hbm>>
      %dma_start3A_21 = tpu.memref_squeeze %dma_start3A_20 : memref<1x152x128xi32, #tpu.memory_space<hbm>> -> memref<152x128xi32, #tpu.memory_space<hbm>>
      tpu.enqueue_dma source(%dma_start3A_21 : memref<152x128xi32, #tpu.memory_space<hbm>>) target(%arg6 : memref<152x128xi32, #tpu.memory_space<vmem>>) target_semaphore(%run_scoped3A : memref<!tpu.dma_semaphore, #tpu.memory_space<semaphore_mem>>)
      %dma_wait3A = arith.constant 0 : i32
      %dma_wait3A_22 = arith.constant 0 : i32
      %dma_wait3A_23 = tpu.memref_slice %arg2[%add3A, %dma_wait3A, %dma_wait3A_22] : memref<32x152x128xi32, #tpu.memory_space<hbm>> -> memref<1x152x128xi32, #tpu.memory_space<hbm>>
      %dma_wait3A_24 = tpu.memref_squeeze %dma_wait3A_23 : memref<1x152x128xi32, #tpu.memory_space<hbm>> -> memref<152x128xi32, #tpu.memory_space<hbm>>
      %dma_wait3A_25 = arith.constant 0 : i32
      %dma_wait3A_26 = arith.constant 0 : i32
      %dma_wait3A_27 = tpu.memref_slice %arg2[%add3A, %dma_wait3A_25, %dma_wait3A_26] : memref<32x152x128xi32, #tpu.memory_space<hbm>> -> memref<1x152x128xi32, #tpu.memory_space<hbm>>
      %dma_wait3A_28 = tpu.memref_squeeze %dma_wait3A_27 : memref<1x152x128xi32, #tpu.memory_space<hbm>> -> memref<152x128xi32, #tpu.memory_space<hbm>>
      tpu.wait_dma2 semaphore(%run_scoped3A : memref<!tpu.dma_semaphore, #tpu.memory_space<semaphore_mem>>) src(%dma_wait3A_28 : memref<152x128xi32, #tpu.memory_space<hbm>>) dst(%arg6 : memref<152x128xi32, #tpu.memory_space<vmem>>)
      tpu.yield
    }) : () -> ()
    %barrier3A = arith.constant 0 : index
    tpu.barrier barrier_id(%barrier3A)
    %scan3A = arith.constant 0 : i32
    %scan3A_5 = arith.constant 0 : i32
    %scan3A_6 = arith.constant 19 : i32
    %scan3A_7 = arith.addi %scan3A_5, %scan3A_6 : i32
    %scan3A_8 = arith.constant 1 : i32
    scf.for %scan3A_15 = %scan3A_5 to %scan3A_7 step %scan3A_8  : i32 {
      %mul3A_16 = arith.constant 2 : i32
      %mul3A_17 = arith.muli %scan3A_15, %mul3A_16 : i32
      %mul3A_18 = arith.constant 4 : i32
      %mul3A_19 = arith.muli %mul3A_17, %mul3A_18 : i32
      %add3A_20 = arith.constant 0 : i32
      %add3A_21 = arith.addi %mul3A_19, %add3A_20 : i32
      %dma_start3A = arith.constant 0 : i32
      %dma_start3A_22 = tpu.memref_slice %arg6[%add3A_21, %dma_start3A] : memref<152x128xi32, #tpu.memory_space<vmem>> -> memref<1x128xi32, #tpu.memory_space<vmem>>
      %dma_start3A_23 = tpu.memref_squeeze %dma_start3A_22 : memref<1x128xi32, #tpu.memory_space<vmem>> -> memref<128xi32, #tpu.memory_space<vmem>>
      %dma_start3A_24 = arith.constant 0 : i32
      %dma_start3A_25 = tpu.memref_slice %arg9[%dma_start3A_24] : memref<51200xf32, #tpu.memory_space<vmem_shared>> -> memref<51200xf32, #tpu.memory_space<vmem_shared>>
      tpu.enqueue_indirect_dma source(%arg7 : memref<128xf32, #tpu.memory_space<vmem>>) target(%dma_start3A_25 : memref<51200xf32, #tpu.memory_space<vmem_shared>>) offsets(%dma_start3A_23 : memref<128xi32, #tpu.memory_space<vmem>>) semaphore(%arg8 : memref<!tpu.dma_semaphore, #tpu.memory_space<semaphore_mem>>) {add = true}
      %add3A_26 = arith.constant 1 : i32
      %add3A_27 = arith.addi %mul3A_19, %add3A_26 : i32
      %dma_start3A_28 = arith.constant 0 : i32
      %dma_start3A_29 = tpu.memref_slice %arg6[%add3A_27, %dma_start3A_28] : memref<152x128xi32, #tpu.memory_space<vmem>> -> memref<1x128xi32, #tpu.memory_space<vmem>>
      %dma_start3A_30 = tpu.memref_squeeze %dma_start3A_29 : memref<1x128xi32, #tpu.memory_space<vmem>> -> memref<128xi32, #tpu.memory_space<vmem>>
      %dma_start3A_31 = arith.constant 0 : i32
      %dma_start3A_32 = tpu.memref_slice %arg9[%dma_start3A_31] : memref<51200xf32, #tpu.memory_space<vmem_shared>> -> memref<51200xf32, #tpu.memory_space<vmem_shared>>
      tpu.enqueue_indirect_dma source(%arg7 : memref<128xf32, #tpu.memory_space<vmem>>) target(%dma_start3A_32 : memref<51200xf32, #tpu.memory_space<vmem_shared>>) offsets(%dma_start3A_30 : memref<128xi32, #tpu.memory_space<vmem>>) semaphore(%arg8 : memref<!tpu.dma_semaphore, #tpu.memory_space<semaphore_mem>>) {add = true}
      %add3A_33 = arith.constant 2 : i32
      %add3A_34 = arith.addi %mul3A_19, %add3A_33 : i32
      %dma_start3A_35 = arith.constant 0 : i32
      %dma_start3A_36 = tpu.memref_slice %arg6[%add3A_34, %dma_start3A_35] : memref<152x128xi32, #tpu.memory_space<vmem>> -> memref<1x128xi32, #tpu.memory_space<vmem>>
      %dma_start3A_37 = tpu.memref_squeeze %dma_start3A_36 : memref<1x128xi32, #tpu.memory_space<vmem>> -> memref<128xi32, #tpu.memory_space<vmem>>
      %dma_start3A_38 = arith.constant 0 : i32
      %dma_start3A_39 = tpu.memref_slice %arg9[%dma_start3A_38] : memref<51200xf32, #tpu.memory_space<vmem_shared>> -> memref<51200xf32, #tpu.memory_space<vmem_shared>>
      tpu.enqueue_indirect_dma source(%arg7 : memref<128xf32, #tpu.memory_space<vmem>>) target(%dma_start3A_39 : memref<51200xf32, #tpu.memory_space<vmem_shared>>) offsets(%dma_start3A_37 : memref<128xi32, #tpu.memory_space<vmem>>) semaphore(%arg8 : memref<!tpu.dma_semaphore, #tpu.memory_space<semaphore_mem>>) {add = true}
      %add3A_40 = arith.constant 3 : i32
      %add3A_41 = arith.addi %mul3A_19, %add3A_40 : i32
      %dma_start3A_42 = arith.constant 0 : i32
      %dma_start3A_43 = tpu.memref_slice %arg6[%add3A_41, %dma_start3A_42] : memref<152x128xi32, #tpu.memory_space<vmem>> -> memref<1x128xi32, #tpu.memory_space<vmem>>
      %dma_start3A_44 = tpu.memref_squeeze %dma_start3A_43 : memref<1x128xi32, #tpu.memory_space<vmem>> -> memref<128xi32, #tpu.memory_space<vmem>>
      %dma_start3A_45 = arith.constant 0 : i32
      %dma_start3A_46 = tpu.memref_slice %arg9[%dma_start3A_45] : memref<51200xf32, #tpu.memory_space<vmem_shared>> -> memref<51200xf32, #tpu.memory_space<vmem_shared>>
      tpu.enqueue_indirect_dma source(%arg7 : memref<128xf32, #tpu.memory_space<vmem>>) target(%dma_start3A_46 : memref<51200xf32, #tpu.memory_space<vmem_shared>>) offsets(%dma_start3A_44 : memref<128xi32, #tpu.memory_space<vmem>>) semaphore(%arg8 : memref<!tpu.dma_semaphore, #tpu.memory_space<semaphore_mem>>) {add = true}
      %add3A_47 = arith.constant 4 : i32
      %add3A_48 = arith.addi %mul3A_19, %add3A_47 : i32
      %dma_start3A_49 = arith.constant 0 : i32
      %dma_start3A_50 = tpu.memref_slice %arg6[%add3A_48, %dma_start3A_49] : memref<152x128xi32, #tpu.memory_space<vmem>> -> memref<1x128xi32, #tpu.memory_space<vmem>>
      %dma_start3A_51 = tpu.memref_squeeze %dma_start3A_50 : memref<1x128xi32, #tpu.memory_space<vmem>> -> memref<128xi32, #tpu.memory_space<vmem>>
      %dma_start3A_52 = arith.constant 0 : i32
      %dma_start3A_53 = tpu.memref_slice %arg9[%dma_start3A_52] : memref<51200xf32, #tpu.memory_space<vmem_shared>> -> memref<51200xf32, #tpu.memory_space<vmem_shared>>
      tpu.enqueue_indirect_dma source(%arg7 : memref<128xf32, #tpu.memory_space<vmem>>) target(%dma_start3A_53 : memref<51200xf32, #tpu.memory_space<vmem_shared>>) offsets(%dma_start3A_51 : memref<128xi32, #tpu.memory_space<vmem>>) semaphore(%arg8 : memref<!tpu.dma_semaphore, #tpu.memory_space<semaphore_mem>>) {add = true}
      %add3A_54 = arith.constant 5 : i32
      %add3A_55 = arith.addi %mul3A_19, %add3A_54 : i32
      %dma_start3A_56 = arith.constant 0 : i32
      %dma_start3A_57 = tpu.memref_slice %arg6[%add3A_55, %dma_start3A_56] : memref<152x128xi32, #tpu.memory_space<vmem>> -> memref<1x128xi32, #tpu.memory_space<vmem>>
      %dma_start3A_58 = tpu.memref_squeeze %dma_start3A_57 : memref<1x128xi32, #tpu.memory_space<vmem>> -> memref<128xi32, #tpu.memory_space<vmem>>
      %dma_start3A_59 = arith.constant 0 : i32
      %dma_start3A_60 = tpu.memref_slice %arg9[%dma_start3A_59] : memref<51200xf32, #tpu.memory_space<vmem_shared>> -> memref<51200xf32, #tpu.memory_space<vmem_shared>>
      tpu.enqueue_indirect_dma source(%arg7 : memref<128xf32, #tpu.memory_space<vmem>>) target(%dma_start3A_60 : memref<51200xf32, #tpu.memory_space<vmem_shared>>) offsets(%dma_start3A_58 : memref<128xi32, #tpu.memory_space<vmem>>) semaphore(%arg8 : memref<!tpu.dma_semaphore, #tpu.memory_space<semaphore_mem>>) {add = true}
      %add3A_61 = arith.constant 6 : i32
      %add3A_62 = arith.addi %mul3A_19, %add3A_61 : i32
      %dma_start3A_63 = arith.constant 0 : i32
      %dma_start3A_64 = tpu.memref_slice %arg6[%add3A_62, %dma_start3A_63] : memref<152x128xi32, #tpu.memory_space<vmem>> -> memref<1x128xi32, #tpu.memory_space<vmem>>
      %dma_start3A_65 = tpu.memref_squeeze %dma_start3A_64 : memref<1x128xi32, #tpu.memory_space<vmem>> -> memref<128xi32, #tpu.memory_space<vmem>>
      %dma_start3A_66 = arith.constant 0 : i32
      %dma_start3A_67 = tpu.memref_slice %arg9[%dma_start3A_66] : memref<51200xf32, #tpu.memory_space<vmem_shared>> -> memref<51200xf32, #tpu.memory_space<vmem_shared>>
      tpu.enqueue_indirect_dma source(%arg7 : memref<128xf32, #tpu.memory_space<vmem>>) target(%dma_start3A_67 : memref<51200xf32, #tpu.memory_space<vmem_shared>>) offsets(%dma_start3A_65 : memref<128xi32, #tpu.memory_space<vmem>>) semaphore(%arg8 : memref<!tpu.dma_semaphore, #tpu.memory_space<semaphore_mem>>) {add = true}
      %add3A_68 = arith.constant 7 : i32
      %add3A_69 = arith.addi %mul3A_19, %add3A_68 : i32
      %dma_start3A_70 = arith.constant 0 : i32
      %dma_start3A_71 = tpu.memref_slice %arg6[%add3A_69, %dma_start3A_70] : memref<152x128xi32, #tpu.memory_space<vmem>> -> memref<1x128xi32, #tpu.memory_space<vmem>>
      %dma_start3A_72 = tpu.memref_squeeze %dma_start3A_71 : memref<1x128xi32, #tpu.memory_space<vmem>> -> memref<128xi32, #tpu.memory_space<vmem>>
      %dma_start3A_73 = arith.constant 0 : i32
      %dma_start3A_74 = tpu.memref_slice %arg9[%dma_start3A_73] : memref<51200xf32, #tpu.memory_space<vmem_shared>> -> memref<51200xf32, #tpu.memory_space<vmem_shared>>
      tpu.enqueue_indirect_dma source(%arg7 : memref<128xf32, #tpu.memory_space<vmem>>) target(%dma_start3A_74 : memref<51200xf32, #tpu.memory_space<vmem_shared>>) offsets(%dma_start3A_72 : memref<128xi32, #tpu.memory_space<vmem>>) semaphore(%arg8 : memref<!tpu.dma_semaphore, #tpu.memory_space<semaphore_mem>>) {add = true}
      %add3A_75 = arith.constant 0 : i32
      %add3A_76 = arith.addi %mul3A_19, %add3A_75 : i32
      %dma_wait3A = arith.constant 0 : i32
      %dma_wait3A_77 = tpu.memref_slice %arg6[%add3A_76, %dma_wait3A] : memref<152x128xi32, #tpu.memory_space<vmem>> -> memref<1x128xi32, #tpu.memory_space<vmem>>
      %dma_wait3A_78 = tpu.memref_squeeze %dma_wait3A_77 : memref<1x128xi32, #tpu.memory_space<vmem>> -> memref<128xi32, #tpu.memory_space<vmem>>
      %dma_wait3A_79 = arith.constant 0 : i32
      %dma_wait3A_80 = tpu.memref_slice %arg9[%dma_wait3A_79] : memref<51200xf32, #tpu.memory_space<vmem_shared>> -> memref<51200xf32, #tpu.memory_space<vmem_shared>>
      tpu.wait_indirect_dma semaphore(%arg8 : memref<!tpu.dma_semaphore, #tpu.memory_space<semaphore_mem>>) src(%arg7 : memref<128xf32, #tpu.memory_space<vmem>>) dst(%dma_wait3A_80 : memref<51200xf32, #tpu.memory_space<vmem_shared>>)
      %add3A_81 = arith.constant 1 : i32
      %add3A_82 = arith.addi %mul3A_19, %add3A_81 : i32
      %dma_wait3A_83 = arith.constant 0 : i32
      %dma_wait3A_84 = tpu.memref_slice %arg6[%add3A_82, %dma_wait3A_83] : memref<152x128xi32, #tpu.memory_space<vmem>> -> memref<1x128xi32, #tpu.memory_space<vmem>>
      %dma_wait3A_85 = tpu.memref_squeeze %dma_wait3A_84 : memref<1x128xi32, #tpu.memory_space<vmem>> -> memref<128xi32, #tpu.memory_space<vmem>>
      %dma_wait3A_86 = arith.constant 0 : i32
      %dma_wait3A_87 = tpu.memref_slice %arg9[%dma_wait3A_86] : memref<51200xf32, #tpu.memory_space<vmem_shared>> -> memref<51200xf32, #tpu.memory_space<vmem_shared>>
      tpu.wait_indirect_dma semaphore(%arg8 : memref<!tpu.dma_semaphore, #tpu.memory_space<semaphore_mem>>) src(%arg7 : memref<128xf32, #tpu.memory_space<vmem>>) dst(%dma_wait3A_87 : memref<51200xf32, #tpu.memory_space<vmem_shared>>)
      %add3A_88 = arith.constant 2 : i32
      %add3A_89 = arith.addi %mul3A_19, %add3A_88 : i32
      %dma_wait3A_90 = arith.constant 0 : i32
      %dma_wait3A_91 = tpu.memref_slice %arg6[%add3A_89, %dma_wait3A_90] : memref<152x128xi32, #tpu.memory_space<vmem>> -> memref<1x128xi32, #tpu.memory_space<vmem>>
      %dma_wait3A_92 = tpu.memref_squeeze %dma_wait3A_91 : memref<1x128xi32, #tpu.memory_space<vmem>> -> memref<128xi32, #tpu.memory_space<vmem>>
      %dma_wait3A_93 = arith.constant 0 : i32
      %dma_wait3A_94 = tpu.memref_slice %arg9[%dma_wait3A_93] : memref<51200xf32, #tpu.memory_space<vmem_shared>> -> memref<51200xf32, #tpu.memory_space<vmem_shared>>
      tpu.wait_indirect_dma semaphore(%arg8 : memref<!tpu.dma_semaphore, #tpu.memory_space<semaphore_mem>>) src(%arg7 : memref<128xf32, #tpu.memory_space<vmem>>) dst(%dma_wait3A_94 : memref<51200xf32, #tpu.memory_space<vmem_shared>>)
      %add3A_95 = arith.constant 3 : i32
      %add3A_96 = arith.addi %mul3A_19, %add3A_95 : i32
      %dma_wait3A_97 = arith.constant 0 : i32
      %dma_wait3A_98 = tpu.memref_slice %arg6[%add3A_96, %dma_wait3A_97] : memref<152x128xi32, #tpu.memory_space<vmem>> -> memref<1x128xi32, #tpu.memory_space<vmem>>
      %dma_wait3A_99 = tpu.memref_squeeze %dma_wait3A_98 : memref<1x128xi32, #tpu.memory_space<vmem>> -> memref<128xi32, #tpu.memory_space<vmem>>
      %dma_wait3A_100 = arith.constant 0 : i32
      %dma_wait3A_101 = tpu.memref_slice %arg9[%dma_wait3A_100] : memref<51200xf32, #tpu.memory_space<vmem_shared>> -> memref<51200xf32, #tpu.memory_space<vmem_shared>>
      tpu.wait_indirect_dma semaphore(%arg8 : memref<!tpu.dma_semaphore, #tpu.memory_space<semaphore_mem>>) src(%arg7 : memref<128xf32, #tpu.memory_space<vmem>>) dst(%dma_wait3A_101 : memref<51200xf32, #tpu.memory_space<vmem_shared>>)
      %add3A_102 = arith.constant 4 : i32
      %add3A_103 = arith.addi %mul3A_19, %add3A_102 : i32
      %dma_wait3A_104 = arith.constant 0 : i32
      %dma_wait3A_105 = tpu.memref_slice %arg6[%add3A_103, %dma_wait3A_104] : memref<152x128xi32, #tpu.memory_space<vmem>> -> memref<1x128xi32, #tpu.memory_space<vmem>>
      %dma_wait3A_106 = tpu.memref_squeeze %dma_wait3A_105 : memref<1x128xi32, #tpu.memory_space<vmem>> -> memref<128xi32, #tpu.memory_space<vmem>>
      %dma_wait3A_107 = arith.constant 0 : i32
      %dma_wait3A_108 = tpu.memref_slice %arg9[%dma_wait3A_107] : memref<51200xf32, #tpu.memory_space<vmem_shared>> -> memref<51200xf32, #tpu.memory_space<vmem_shared>>
      tpu.wait_indirect_dma semaphore(%arg8 : memref<!tpu.dma_semaphore, #tpu.memory_space<semaphore_mem>>) src(%arg7 : memref<128xf32, #tpu.memory_space<vmem>>) dst(%dma_wait3A_108 : memref<51200xf32, #tpu.memory_space<vmem_shared>>)
      %add3A_109 = arith.constant 5 : i32
      %add3A_110 = arith.addi %mul3A_19, %add3A_109 : i32
      %dma_wait3A_111 = arith.constant 0 : i32
      %dma_wait3A_112 = tpu.memref_slice %arg6[%add3A_110, %dma_wait3A_111] : memref<152x128xi32, #tpu.memory_space<vmem>> -> memref<1x128xi32, #tpu.memory_space<vmem>>
      %dma_wait3A_113 = tpu.memref_squeeze %dma_wait3A_112 : memref<1x128xi32, #tpu.memory_space<vmem>> -> memref<128xi32, #tpu.memory_space<vmem>>
      %dma_wait3A_114 = arith.constant 0 : i32
      %dma_wait3A_115 = tpu.memref_slice %arg9[%dma_wait3A_114] : memref<51200xf32, #tpu.memory_space<vmem_shared>> -> memref<51200xf32, #tpu.memory_space<vmem_shared>>
      tpu.wait_indirect_dma semaphore(%arg8 : memref<!tpu.dma_semaphore, #tpu.memory_space<semaphore_mem>>) src(%arg7 : memref<128xf32, #tpu.memory_space<vmem>>) dst(%dma_wait3A_115 : memref<51200xf32, #tpu.memory_space<vmem_shared>>)
      %add3A_116 = arith.constant 6 : i32
      %add3A_117 = arith.addi %mul3A_19, %add3A_116 : i32
      %dma_wait3A_118 = arith.constant 0 : i32
      %dma_wait3A_119 = tpu.memref_slice %arg6[%add3A_117, %dma_wait3A_118] : memref<152x128xi32, #tpu.memory_space<vmem>> -> memref<1x128xi32, #tpu.memory_space<vmem>>
      %dma_wait3A_120 = tpu.memref_squeeze %dma_wait3A_119 : memref<1x128xi32, #tpu.memory_space<vmem>> -> memref<128xi32, #tpu.memory_space<vmem>>
      %dma_wait3A_121 = arith.constant 0 : i32
      %dma_wait3A_122 = tpu.memref_slice %arg9[%dma_wait3A_121] : memref<51200xf32, #tpu.memory_space<vmem_shared>> -> memref<51200xf32, #tpu.memory_space<vmem_shared>>
      tpu.wait_indirect_dma semaphore(%arg8 : memref<!tpu.dma_semaphore, #tpu.memory_space<semaphore_mem>>) src(%arg7 : memref<128xf32, #tpu.memory_space<vmem>>) dst(%dma_wait3A_122 : memref<51200xf32, #tpu.memory_space<vmem_shared>>)
      %add3A_123 = arith.constant 7 : i32
      %add3A_124 = arith.addi %mul3A_19, %add3A_123 : i32
      %dma_wait3A_125 = arith.constant 0 : i32
      %dma_wait3A_126 = tpu.memref_slice %arg6[%add3A_124, %dma_wait3A_125] : memref<152x128xi32, #tpu.memory_space<vmem>> -> memref<1x128xi32, #tpu.memory_space<vmem>>
      %dma_wait3A_127 = tpu.memref_squeeze %dma_wait3A_126 : memref<1x128xi32, #tpu.memory_space<vmem>> -> memref<128xi32, #tpu.memory_space<vmem>>
      %dma_wait3A_128 = arith.constant 0 : i32
      %dma_wait3A_129 = tpu.memref_slice %arg9[%dma_wait3A_128] : memref<51200xf32, #tpu.memory_space<vmem_shared>> -> memref<51200xf32, #tpu.memory_space<vmem_shared>>
      tpu.wait_indirect_dma semaphore(%arg8 : memref<!tpu.dma_semaphore, #tpu.memory_space<semaphore_mem>>) src(%arg7 : memref<128xf32, #tpu.memory_space<vmem>>) dst(%dma_wait3A_129 : memref<51200xf32, #tpu.memory_space<vmem_shared>>)
    }
    %scan3A_9 = arith.constant 19 : i32
    %barrier3A_10 = arith.constant 0 : index
    tpu.barrier barrier_id(%barrier3A_10)
    %mul3A_11 = arith.constant 3200 : i32
    %mul3A_12 = arith.muli %arg1, %mul3A_11 : i32
    %mul3A_13 = arith.constant 3200 : i32
    %mul3A_14 = arith.muli %arg1, %mul3A_13 : i32
    "tpu.region"() ({
      %run_scoped3A = tpu.sem_alloc : memref<!tpu.dma_semaphore, #tpu.memory_space<semaphore_mem>>
      %dma_start3A = arith.constant 0 : i32
      %dma_start3A_15 = tpu.memref_slice %arg5[%arg0, %dma_start3A] : memref<2x51200xf32, #tpu.memory_space<hbm>> -> memref<1x51200xf32, #tpu.memory_space<hbm>>
      %dma_start3A_16 = tpu.memref_squeeze %dma_start3A_15 : memref<1x51200xf32, #tpu.memory_space<hbm>> -> memref<51200xf32, #tpu.memory_space<hbm>>
      %dma_start3A_17 = tpu.memref_slice %dma_start3A_16[%mul3A_14] : memref<51200xf32, #tpu.memory_space<hbm>> -> memref<3200xf32, #tpu.memory_space<hbm>>
      %dma_start3A_18 = tpu.memref_slice %arg9[%mul3A_12] : memref<51200xf32, #tpu.memory_space<vmem_shared>> -> memref<3200xf32, #tpu.memory_space<vmem_shared>>
      tpu.enqueue_dma source(%dma_start3A_18 : memref<3200xf32, #tpu.memory_space<vmem_shared>>) target(%dma_start3A_17 : memref<3200xf32, #tpu.memory_space<hbm>>) target_semaphore(%run_scoped3A : memref<!tpu.dma_semaphore, #tpu.memory_space<semaphore_mem>>)
      %dma_wait3A = arith.constant 0 : i32
      %dma_wait3A_19 = tpu.memref_slice %arg5[%arg0, %dma_wait3A] : memref<2x51200xf32, #tpu.memory_space<hbm>> -> memref<1x51200xf32, #tpu.memory_space<hbm>>
      %dma_wait3A_20 = tpu.memref_squeeze %dma_wait3A_19 : memref<1x51200xf32, #tpu.memory_space<hbm>> -> memref<51200xf32, #tpu.memory_space<hbm>>
      %dma_wait3A_21 = tpu.memref_slice %dma_wait3A_20[%mul3A_14] : memref<51200xf32, #tpu.memory_space<hbm>> -> memref<3200xf32, #tpu.memory_space<hbm>>
      %dma_wait3A_22 = tpu.memref_slice %arg9[%mul3A_12] : memref<51200xf32, #tpu.memory_space<vmem_shared>> -> memref<3200xf32, #tpu.memory_space<vmem_shared>>
      tpu.wait_dma2 semaphore(%run_scoped3A : memref<!tpu.dma_semaphore, #tpu.memory_space<semaphore_mem>>) src(%dma_wait3A_22 : memref<3200xf32, #tpu.memory_space<vmem_shared>>) dst(%dma_wait3A_21 : memref<3200xf32, #tpu.memory_space<hbm>>)
      tpu.yield
    }) : () -> ()
    return
  }
}

module attributes {stable_mosaic.version = 14 : i64} {
  func.func @_tc_pre_body(%arg0: i32, %arg1: memref<1024x128xf32, #tpu.memory_space<vmem>>, %arg2: memref<1024x128xf32, #tpu.memory_space<vmem>>, %arg3: memref<8x128xf32, #tpu.memory_space<vmem>>, %arg4: memref<8x128xf32, #tpu.memory_space<vmem>>, %arg5: memref<128x32xf32, #tpu.memory_space<vmem>>, %arg6: memref<128x32xf32, #tpu.memory_space<vmem>>, %arg7: memref<128x32xf32, #tpu.memory_space<vmem>>, %arg8: memref<32x1xf32, #tpu.memory_space<vmem>>, %arg9: memref<1x32xf32, #tpu.memory_space<vmem>>, %arg10: memref<1x32xf32, #tpu.memory_space<vmem>>, %arg11: memref<1x1xf32, #tpu.memory_space<vmem>>, %arg12: memref<8x128xf32, #tpu.memory_space<vmem>>, %arg13: memref<8x128xf32, #tpu.memory_space<vmem>>, %arg14: memref<8x128xf32, #tpu.memory_space<vmem>>, %arg15: memref<8x128xf32, #tpu.memory_space<vmem>>, %arg16: memref<8x128xf32, #tpu.memory_space<vmem>>) attributes {dimension_semantics = [#tpu.dimension_semantics<arbitrary>], iteration_bounds = array<i64: 50>, scalar_prefetch = 0 : i64, scratch_operands = 0 : i64, tpu.core_type = #tpu.core_type<tc>, window_params = [{transform_indices = @transform_0, window_bounds = array<i64: 1024, 128>}, {transform_indices = @transform_1, window_bounds = array<i64: 1024, 128>}, {transform_indices = @transform_2, window_bounds = array<i64: 8, 128>}, {transform_indices = @transform_3, window_bounds = array<i64: 8, 128>}, {pipeline_mode = #tpu.pipeline_mode<synchronous>, transform_indices = @transform_4, window_bounds = array<i64: 128, 32>}, {pipeline_mode = #tpu.pipeline_mode<synchronous>, transform_indices = @transform_5, window_bounds = array<i64: 128, 32>}, {pipeline_mode = #tpu.pipeline_mode<synchronous>, transform_indices = @transform_6, window_bounds = array<i64: 128, 32>}, {pipeline_mode = #tpu.pipeline_mode<synchronous>, transform_indices = @transform_7, window_bounds = array<i64: 32, 1>}, {pipeline_mode = #tpu.pipeline_mode<synchronous>, transform_indices = @transform_8, window_bounds = array<i64: 1, 32>}, {pipeline_mode = #tpu.pipeline_mode<synchronous>, transform_indices = @transform_9, window_bounds = array<i64: 1, 32>}, {pipeline_mode = #tpu.pipeline_mode<synchronous>, transform_indices = @transform_10, window_bounds = array<i64: 1, 1>}, {transform_indices = @transform_11, window_bounds = array<i64: 8, 128>}, {transform_indices = @transform_12, window_bounds = array<i64: 8, 128>}, {transform_indices = @transform_13, window_bounds = array<i64: 8, 128>}, {transform_indices = @transform_14, window_bounds = array<i64: 8, 128>}, {transform_indices = @transform_15, window_bounds = array<i64: 8, 128>}]} {
    %get3A = arith.constant 0 : index
    %get3A_0 = arith.constant 0 : index
    %get3A_1 = vector.load %arg8[%get3A, %get3A_0] : memref<32x1xf32, #tpu.memory_space<vmem>>, vector<32x1xf32>
    %get3A_2 = arith.constant 0 : index
    %get3A_3 = arith.constant 0 : index
    %get3A_4 = vector.load %arg1[%get3A_2, %get3A_3] : memref<1024x128xf32, #tpu.memory_space<vmem>>, vector<1024x128xf32>
    %get3A_5 = arith.constant 0 : index
    %get3A_6 = arith.constant 0 : index
    %get3A_7 = vector.load %arg5[%get3A_5, %get3A_6] : memref<128x32xf32, #tpu.memory_space<vmem>>, vector<128x32xf32>
    %dot_general3A = arith.constant dense<0.000000e+00> : vector<128x1xf32>
    %dot_general3A_8 = tpu.matmul %get3A_7, %get3A_1, %dot_general3A {dimension_numbers = #tpu.dot_dimension_numbers<[1], [0], [0], [1], [0, 0, 1, 1], [], []>, transpose_lhs_hint = false} : vector<128x32xf32>, vector<32x1xf32>, vector<128x1xf32> -> vector<128x1xf32>
    %dot_general3A_9 = arith.constant dense<0.000000e+00> : vector<1024x1xf32>
    %dot_general3A_10 = tpu.matmul %get3A_4, %dot_general3A_8, %dot_general3A_9 {dimension_numbers = #tpu.dot_dimension_numbers<[1], [0], [0], [1], [0, 0, 1, 1], [], []>, transpose_lhs_hint = false} : vector<1024x128xf32>, vector<128x1xf32>, vector<1024x1xf32> -> vector<1024x1xf32>
    %reshape3A = vector.shape_cast %dot_general3A_10 : vector<1024x1xf32> to vector<8x128xf32>
    %get3A_11 = arith.constant 0 : index
    %get3A_12 = arith.constant 0 : index
    %get3A_13 = vector.load %arg7[%get3A_11, %get3A_12] : memref<128x32xf32, #tpu.memory_space<vmem>>, vector<128x32xf32>
    %dot_general3A_14 = arith.constant dense<0.000000e+00> : vector<128x1xf32>
    %dot_general3A_15 = tpu.matmul %get3A_13, %get3A_1, %dot_general3A_14 {dimension_numbers = #tpu.dot_dimension_numbers<[1], [0], [0], [1], [0, 0, 1, 1], [], []>, transpose_lhs_hint = false} : vector<128x32xf32>, vector<32x1xf32>, vector<128x1xf32> -> vector<128x1xf32>
    %dot_general3A_16 = arith.constant dense<0.000000e+00> : vector<1024x1xf32>
    %dot_general3A_17 = tpu.matmul %get3A_4, %dot_general3A_15, %dot_general3A_16 {dimension_numbers = #tpu.dot_dimension_numbers<[1], [0], [0], [1], [0, 0, 1, 1], [], []>, transpose_lhs_hint = false} : vector<1024x128xf32>, vector<128x1xf32>, vector<1024x1xf32> -> vector<1024x1xf32>
    %reshape3A_18 = vector.shape_cast %dot_general3A_17 : vector<1024x1xf32> to vector<8x128xf32>
    %get3A_19 = arith.constant 0 : index
    %get3A_20 = arith.constant 0 : index
    %get3A_21 = vector.load %arg3[%get3A_19, %get3A_20] : memref<8x128xf32, #tpu.memory_space<vmem>>, vector<8x128xf32>
    %add3A = arith.constant 1.000000e+00 : f32
    %add3A_22 = vector.broadcast %add3A : f32 to vector<8x128xf32>
    %add3A_23 = arith.addf %get3A_21, %add3A_22 : vector<8x128xf32>
    %rsqrt3A = math.rsqrt %add3A_23 : vector<8x128xf32>
    %get3A_24 = arith.constant 0 : index
    %get3A_25 = arith.constant 0 : index
    %get3A_26 = vector.load %arg9[%get3A_24, %get3A_25] : memref<1x32xf32, #tpu.memory_space<vmem>>, vector<1x32xf32>
    %get3A_27 = arith.constant 0 : index
    %get3A_28 = arith.constant 0 : index
    %get3A_29 = vector.load %arg10[%get3A_27, %get3A_28] : memref<1x32xf32, #tpu.memory_space<vmem>>, vector<1x32xf32>
    %add3A_30 = arith.addf %get3A_26, %get3A_29 : vector<1x32xf32>
    %dot_general3A_31 = arith.constant dense<0.000000e+00> : vector<1x1xf32>
    %dot_general3A_32 = tpu.matmul %add3A_30, %get3A_1, %dot_general3A_31 {dimension_numbers = #tpu.dot_dimension_numbers<[1], [0], [0], [1], [0, 0, 1, 1], [], []>, transpose_lhs_hint = false} : vector<1x32xf32>, vector<32x1xf32>, vector<1x1xf32> -> vector<1x1xf32>
    %get3A_33 = arith.constant 0 : index
    %get3A_34 = arith.constant 0 : index
    %get3A_35 = vector.load %arg11[%get3A_33, %get3A_34] : memref<1x1xf32, #tpu.memory_space<vmem>>, vector<1x1xf32>
    %add3A_36 = arith.addf %dot_general3A_32, %get3A_35 : vector<1x1xf32>
    %mul3A = arith.mulf %reshape3A, %rsqrt3A : vector<8x128xf32>
    %swap3A = arith.constant 0 : index
    %swap3A_37 = arith.constant 0 : index
    %swap3A_38 = vector.load %arg12[%swap3A, %swap3A_37] : memref<8x128xf32, #tpu.memory_space<vmem>>, vector<8x128xf32>
    tpu.vector_store %arg12[%swap3A, %swap3A_37], %mul3A {strides = array<i32>} : memref<8x128xf32, #tpu.memory_space<vmem>>, vector<8x128xf32>,
    %swap3A_39 = arith.constant 0 : index
    %swap3A_40 = arith.constant 0 : index
    %swap3A_41 = vector.load %arg13[%swap3A_39, %swap3A_40] : memref<8x128xf32, #tpu.memory_space<vmem>>, vector<8x128xf32>
    tpu.vector_store %arg13[%swap3A_39, %swap3A_40], %rsqrt3A {strides = array<i32>} : memref<8x128xf32, #tpu.memory_space<vmem>>, vector<8x128xf32>,
    %get3A_42 = arith.constant 0 : index
    %get3A_43 = arith.constant 0 : index
    %get3A_44 = vector.load %arg4[%get3A_42, %get3A_43] : memref<8x128xf32, #tpu.memory_space<vmem>>, vector<8x128xf32>
    %max3A = arith.constant 1.000000e+00 : f32
    %max3A_45 = vector.broadcast %max3A : f32 to vector<8x128xf32>
    %max3A_46 = arith.maximumf %get3A_44, %max3A_45 : vector<8x128xf32>
    %div3A = arith.constant 1.000000e+00 : f32
    %div3A_47 = vector.broadcast %div3A : f32 to vector<8x128xf32>
    %div3A_48 = arith.divf %div3A_47, %max3A_46 : vector<8x128xf32>
    %swap3A_49 = arith.constant 0 : index
    %swap3A_50 = arith.constant 0 : index
    %swap3A_51 = vector.load %arg14[%swap3A_49, %swap3A_50] : memref<8x128xf32, #tpu.memory_space<vmem>>, vector<8x128xf32>
    tpu.vector_store %arg14[%swap3A_49, %swap3A_50], %div3A_48 {strides = array<i32>} : memref<8x128xf32, #tpu.memory_space<vmem>>, vector<8x128xf32>,
    %div3A_52 = arith.divf %reshape3A, %add3A_23 : vector<8x128xf32>
    %add3A_53 = arith.addf %div3A_52, %reshape3A_18 : vector<8x128xf32>
    %add3A_54 = vector.broadcast %add3A_36 : vector<1x1xf32> to vector<8x128xf32>
    %add3A_55 = arith.addf %add3A_53, %add3A_54 : vector<8x128xf32>
    %swap3A_56 = arith.constant 0 : index
    %swap3A_57 = arith.constant 0 : index
    %swap3A_58 = vector.load %arg15[%swap3A_56, %swap3A_57] : memref<8x128xf32, #tpu.memory_space<vmem>>, vector<8x128xf32>
    tpu.vector_store %arg15[%swap3A_56, %swap3A_57], %add3A_55 {strides = array<i32>} : memref<8x128xf32, #tpu.memory_space<vmem>>, vector<8x128xf32>,
    %lt3A = arith.constant 20 : i32
    %lt3A_59 = arith.cmpi slt, %arg0, %lt3A : i32
    %convert_element_type3A = arith.extui %lt3A_59 : i1 to i32
    %cond3A = arith.constant 0 : i32
    %cond3A_60 = arith.cmpi ne, %convert_element_type3A, %cond3A : i32
    scf.if %cond3A_60 {
      %get3A_61 = arith.constant 0 : index
      %get3A_62 = arith.constant 0 : index
      %get3A_63 = vector.load %arg2[%get3A_61, %get3A_62] : memref<1024x128xf32, #tpu.memory_space<vmem>>, vector<1024x128xf32>
      %get3A_64 = arith.constant 0 : index
      %get3A_65 = arith.constant 0 : index
      %get3A_66 = vector.load %arg6[%get3A_64, %get3A_65] : memref<128x32xf32, #tpu.memory_space<vmem>>, vector<128x32xf32>
      %dot_general3A_67 = arith.constant dense<0.000000e+00> : vector<128x1xf32>
      %dot_general3A_68 = tpu.matmul %get3A_66, %get3A_1, %dot_general3A_67 {dimension_numbers = #tpu.dot_dimension_numbers<[1], [0], [0], [1], [0, 0, 1, 1], [], []>, transpose_lhs_hint = false} : vector<128x32xf32>, vector<32x1xf32>, vector<128x1xf32> -> vector<128x1xf32>
      %dot_general3A_69 = arith.constant dense<0.000000e+00> : vector<1024x1xf32>
      %dot_general3A_70 = tpu.matmul %get3A_63, %dot_general3A_68, %dot_general3A_69 {dimension_numbers = #tpu.dot_dimension_numbers<[1], [0], [0], [1], [0, 0, 1, 1], [], []>, transpose_lhs_hint = false} : vector<1024x128xf32>, vector<128x1xf32>, vector<1024x1xf32> -> vector<1024x1xf32>
      %reshape3A_71 = vector.shape_cast %dot_general3A_70 : vector<1024x1xf32> to vector<8x128xf32>
      %swap3A_72 = arith.constant 0 : index
      %swap3A_73 = arith.constant 0 : index
      %swap3A_74 = vector.load %arg16[%swap3A_72, %swap3A_73] : memref<8x128xf32, #tpu.memory_space<vmem>>, vector<8x128xf32>
      tpu.vector_store %arg16[%swap3A_72, %swap3A_73], %reshape3A_71 {strides = array<i32>} : memref<8x128xf32, #tpu.memory_space<vmem>>, vector<8x128xf32>,
    } else {
    }
    return
  }
  func.func @transform_0(%arg0: i32) -> (i32, i32) {
    %min3A = arith.constant 48 : i32
    %min3A_0 = arith.minsi %arg0, %min3A : i32
    %c0_i32 = arith.constant 0 : i32
    %c0_i32_1 = arith.constant 0 : i32
    return %min3A_0, %c0_i32 : i32, i32
  }
  func.func @transform_1(%arg0: i32) -> (i32, i32) {
    %min3A = arith.constant 19 : i32
    %min3A_0 = arith.minsi %arg0, %min3A : i32
    %c0_i32 = arith.constant 0 : i32
    %c0_i32_1 = arith.constant 0 : i32
    return %min3A_0, %c0_i32 : i32, i32
  }
  func.func @transform_2(%arg0: i32) -> (i32, i32) {
    %c0_i32 = arith.constant 0 : i32
    %c0_i32_0 = arith.constant 0 : i32
    return %arg0, %c0_i32 : i32, i32
  }
  func.func @transform_3(%arg0: i32) -> (i32, i32) {
    %c0_i32 = arith.constant 0 : i32
    %c0_i32_0 = arith.constant 0 : i32
    return %arg0, %c0_i32 : i32, i32
  }
  func.func @transform_4(%arg0: i32) -> (i32, i32) {
    %c0_i32 = arith.constant 0 : i32
    %c0_i32_0 = arith.constant 0 : i32
    %c0_i32_1 = arith.constant 0 : i32
    return %c0_i32, %c0_i32_0 : i32, i32
  }
  func.func @transform_5(%arg0: i32) -> (i32, i32) {
    %c0_i32 = arith.constant 0 : i32
    %c0_i32_0 = arith.constant 0 : i32
    %c0_i32_1 = arith.constant 0 : i32
    return %c0_i32, %c0_i32_0 : i32, i32
  }
  func.func @transform_6(%arg0: i32) -> (i32, i32) {
    %c0_i32 = arith.constant 0 : i32
    %c0_i32_0 = arith.constant 0 : i32
    %c0_i32_1 = arith.constant 0 : i32
    return %c0_i32, %c0_i32_0 : i32, i32
  }
  func.func @transform_7(%arg0: i32) -> (i32, i32) {
    %c0_i32 = arith.constant 0 : i32
    %c0_i32_0 = arith.constant 0 : i32
    %c0_i32_1 = arith.constant 0 : i32
    return %c0_i32, %c0_i32_0 : i32, i32
  }
  func.func @transform_8(%arg0: i32) -> (i32, i32) {
    %c0_i32 = arith.constant 0 : i32
    %c0_i32_0 = arith.constant 0 : i32
    %c0_i32_1 = arith.constant 0 : i32
    return %c0_i32, %c0_i32_0 : i32, i32
  }
  func.func @transform_9(%arg0: i32) -> (i32, i32) {
    %c0_i32 = arith.constant 0 : i32
    %c0_i32_0 = arith.constant 0 : i32
    %c0_i32_1 = arith.constant 0 : i32
    return %c0_i32, %c0_i32_0 : i32, i32
  }
  func.func @transform_10(%arg0: i32) -> (i32, i32) {
    %c0_i32 = arith.constant 0 : i32
    %c0_i32_0 = arith.constant 0 : i32
    %c0_i32_1 = arith.constant 0 : i32
    return %c0_i32, %c0_i32_0 : i32, i32
  }
  func.func @transform_11(%arg0: i32) -> (i32, i32) {
    %c0_i32 = arith.constant 0 : i32
    %c0_i32_0 = arith.constant 0 : i32
    return %arg0, %c0_i32 : i32, i32
  }
  func.func @transform_12(%arg0: i32) -> (i32, i32) {
    %c0_i32 = arith.constant 0 : i32
    %c0_i32_0 = arith.constant 0 : i32
    return %arg0, %c0_i32 : i32, i32
  }
  func.func @transform_13(%arg0: i32) -> (i32, i32) {
    %c0_i32 = arith.constant 0 : i32
    %c0_i32_0 = arith.constant 0 : i32
    return %arg0, %c0_i32 : i32, i32
  }
  func.func @transform_14(%arg0: i32) -> (i32, i32) {
    %c0_i32 = arith.constant 0 : i32
    %c0_i32_0 = arith.constant 0 : i32
    return %arg0, %c0_i32 : i32, i32
  }
  func.func @transform_15(%arg0: i32) -> (i32, i32) {
    %min3A = arith.constant 19 : i32
    %min3A_0 = arith.minsi %arg0, %min3A : i32
    %c0_i32 = arith.constant 0 : i32
    %c0_i32_1 = arith.constant 0 : i32
    return %min3A_0, %c0_i32 : i32, i32
  }
}

module attributes {stable_mosaic.version = 14 : i64} {
  func.func @_tc_combine_body(%arg0: i32, %arg1: memref<8x128xf32, #tpu.memory_space<vmem>>, %arg2: memref<8x128xf32, #tpu.memory_space<vmem>>, %arg3: memref<8x128xf32, #tpu.memory_space<vmem>>, %arg4: memref<8x128xf32, #tpu.memory_space<vmem>>, %arg5: memref<8x128xf32, #tpu.memory_space<vmem>>, %arg6: memref<8x128xf32, #tpu.memory_space<vmem>>) attributes {dimension_semantics = [#tpu.dimension_semantics<arbitrary>], iteration_bounds = array<i64: 50>, scalar_prefetch = 0 : i64, scratch_operands = 0 : i64, tpu.core_type = #tpu.core_type<tc>, window_params = [{transform_indices = @transform_0, window_bounds = array<i64: 8, 128>}, {transform_indices = @transform_1, window_bounds = array<i64: 8, 128>}, {transform_indices = @transform_2, window_bounds = array<i64: 8, 128>}, {transform_indices = @transform_3, window_bounds = array<i64: 8, 128>}, {transform_indices = @transform_4, window_bounds = array<i64: 8, 128>}, {transform_indices = @transform_5, window_bounds = array<i64: 8, 128>}]} {
    %get3A = arith.constant 0 : index
    %get3A_0 = arith.constant 0 : index
    %get3A_1 = vector.load %arg1[%get3A, %get3A_0] : memref<8x128xf32, #tpu.memory_space<vmem>>, vector<8x128xf32>
    %get3A_2 = arith.constant 0 : index
    %get3A_3 = arith.constant 0 : index
    %get3A_4 = vector.load %arg4[%get3A_2, %get3A_3] : memref<8x128xf32, #tpu.memory_space<vmem>>, vector<8x128xf32>
    %mul3A = arith.mulf %get3A_1, %get3A_4 : vector<8x128xf32>
    %get3A_5 = arith.constant 0 : index
    %get3A_6 = arith.constant 0 : index
    %get3A_7 = vector.load %arg2[%get3A_5, %get3A_6] : memref<8x128xf32, #tpu.memory_space<vmem>>, vector<8x128xf32>
    %get3A_8 = arith.constant 0 : index
    %get3A_9 = arith.constant 0 : index
    %get3A_10 = vector.load %arg5[%get3A_8, %get3A_9] : memref<8x128xf32, #tpu.memory_space<vmem>>, vector<8x128xf32>
    %mul3A_11 = arith.mulf %get3A_7, %get3A_10 : vector<8x128xf32>
    %add3A = arith.addf %mul3A, %mul3A_11 : vector<8x128xf32>
    %get3A_12 = arith.constant 0 : index
    %get3A_13 = arith.constant 0 : index
    %get3A_14 = vector.load %arg3[%get3A_12, %get3A_13] : memref<8x128xf32, #tpu.memory_space<vmem>>, vector<8x128xf32>
    %add3A_15 = arith.addf %add3A, %get3A_14 : vector<8x128xf32>
    %swap3A = arith.constant 0 : index
    %swap3A_16 = arith.constant 0 : index
    %swap3A_17 = vector.load %arg6[%swap3A, %swap3A_16] : memref<8x128xf32, #tpu.memory_space<vmem>>, vector<8x128xf32>
    tpu.vector_store %arg6[%swap3A, %swap3A_16], %add3A_15 {strides = array<i32>} : memref<8x128xf32, #tpu.memory_space<vmem>>, vector<8x128xf32>,
    return
  }
  func.func @transform_0(%arg0: i32) -> (i32, i32) {
    %c0_i32 = arith.constant 0 : i32
    %c0_i32_0 = arith.constant 0 : i32
    return %arg0, %c0_i32 : i32, i32
  }
  func.func @transform_1(%arg0: i32) -> (i32, i32) {
    %c0_i32 = arith.constant 0 : i32
    %c0_i32_0 = arith.constant 0 : i32
    return %arg0, %c0_i32 : i32, i32
  }
  func.func @transform_2(%arg0: i32) -> (i32, i32) {
    %c0_i32 = arith.constant 0 : i32
    %c0_i32_0 = arith.constant 0 : i32
    return %arg0, %c0_i32 : i32, i32
  }
  func.func @transform_3(%arg0: i32) -> (i32, i32) {
    %c0_i32 = arith.constant 0 : i32
    %c0_i32_0 = arith.constant 0 : i32
    return %arg0, %c0_i32 : i32, i32
  }
  func.func @transform_4(%arg0: i32) -> (i32, i32) {
    %c0_i32 = arith.constant 0 : i32
    %c0_i32_0 = arith.constant 0 : i32
    return %arg0, %c0_i32 : i32, i32
  }
  func.func @transform_5(%arg0: i32) -> (i32, i32) {
    %c0_i32 = arith.constant 0 : i32
    %c0_i32_0 = arith.constant 0 : i32
    return %arg0, %c0_i32 : i32, i32
  }
}

</mosaic_0001>

<sc_bundles>
// kernel: kernel.6.cloned.1.call-start
scs
__scs_entry_jumppad:
0x0: {  	(pc) =	sbr.rel $0x88, $3  }
0x1: {  	(tag) =	ssettag $0x0;
	lr =	simm.s32 $0x1  }
0x2: {  	[smem:$0x3F96] =	sst lr;
	_ =	strace $0xD0000000  }
0x3: {  	_ = 	snop  }
0x4: {  	_ = 	snop  }
0x5: {  	_ = 	snop  }
0x6: {  	_ = 	snop  }
0x7: {  	_ = 	snop  }
__scs_overlays_trampoline_lowered:
0x8: {  	[smem:$0x3FA5] =	sst s0  }
0x9: {  	[smem:$0x3FA6] =	sst s1  }
0xa: {  	[smem:$0x3FA7] =	sst s2  }
0xb: {  	[smem:$0x3FA8] =	sst s3  }
0xc: {  	[smem:$0x3FA9] =	sst s4  }
0xd: {  	[smem:$0x3FAA] =	sst s5  }
0xe: {  	[smem:$0x3FAB] =	sst s6  }
0xf: {  	[smem:$0x3FAC] =	sst s7  }
0x10: {  	[smem:$0x3FAD] =	sst s8  }
0x11: {  	[smem:$0x3FAE] =	sst s9;
	s0 =	simm.s32 @!p0 $0x0  }
0x12: {  	s1 =	sld [smem:$0x3F94];
	s0 =	simm.s32 @p0 $0x1  }
0x13: {  	[smem:$0x3FAF] =	sst s0;
	s0 =	simm.s32 @!p1 $0x0  }
0x14: {  	s2 =	sld [smem:$0x3F93];
	s0 =	simm.s32 @p1 $0x1  }
0x15: {  	[smem:$0x3FB0] =	sst s0;
	s0 =	simm.s32 @!p2 $0x0  }
0x16: {  	s3 =	sld [smem:$0x3FDB];
	s0 =	simm.s32 @p2 $0x1  }
0x17: {  	s4 =	simm.s32 $0x1BF5;
	[smem:$0x3FB2] =	sst s0  }
0x18: {  	s0 =	sld [smem:$0x3F95];
	_ =	swait.ge [sflag:s4], $0x0  }
0x19: {  	s7 =	sld [smem:$0x3F96]  }
0x1a: {  	s8 =	sadd.s32 $0xFFFFE003, lr  }
0x1b: {  	s9 =	sadd.s32 $0xFFFFFEF7, lr;
	s5 =	simm.s32 $0xFFFFFFFF;
	p2 =	slt.u32 s8, $0xFFFFF086  }
0x1c: {  	p1 =	slt.u32 s9, $0xF7A;
	s5 =	simm.s32 @!p2 $0x0  }
0x1d: {  	s5 =	simm.s32 @p1 $0x1;
	p0 =	seq.s32 s7, s2  }
0x1e: {  	s7 =	smul.u32 @!p0 $0xF7A, s2;
	p2 =	seq.s32 @!p0 s5, $0x0  }
0x1f: {  	s9 =	smul.u32 $0xF7A, s1;
	s8 =	simm.s32 @!p0 $0x1BF5;
	p2 =	por !p2, p0  }
0x20: {  	[sflag:s8] =	ssyncset.s32 @!p0 $0xFFFFF086;
	s6 =	sadd.s32 @!p0 s3, s7;
	s7 =	simm.s32 @!p0 $0x108  }
0x21: {  	s3 =	sadd.s32 s3, s9;
	s6 =	sadd.s32 @!p0 $0x88, s6;
	s7 =	simm.s32 @p2 $0x1082  }
0x22: {  	[simem:s7], [sflag:s8] =	dma.local @!p0 [hbm:s6], $0xF7A  }
0x23: {  	s9 =	sor.u32 $0xD0000000, s2;
	s6 =	simm.s32 $0x108;
	_ =	swait.ge @!p0 [sflag:s8], $0x0  }
0x24: {  	s3 =	sadd.s32 $0x88, s3;
	s6 =	simm.s32 @!p1 $0x1082;
	[sflag:s4] =	ssyncset.s32 $0xFFFFF086  }
0x25: {  	[simem:s6], [sflag:s4] =	dma.local [hbm:s3], $0xF7A  }
0x26: {  	[smem:$0x3F96] =	sst s1;
	(tag) =	ssettag s2;
	_ =	strace s9  }
0x27: {  	s1 =	sld [smem:$0x3FA6]  }
0x28: {  	s2 =	sld [smem:$0x3FA7]  }
0x29: {  	s4 =	sld [smem:$0x3FA9]  }
0x2a: {  	p0 =	seq.s32 s5, $0x0;
	s5 =	sld [smem:$0x3FAA]  }
0x2b: {  	s6 =	sld [smem:$0x3FAB]  }
0x2c: {  	s7 =	sld [smem:$0x3FAC]  }
0x2d: {  	s3 =	simm.s32 $0x108;
	s8 =	sld [smem:$0x3FAD]  }
0x2e: {  	s3 =	simm.s32 @!p0 $0x1082;
	s9 =	sld [smem:$0x3FAE]  }
0x2f: {  	lr =	sadd.s32 s0, s3;
	s0 =	sld [smem:$0x3FA5]  }
0x30: {  	s3 =	sld [smem:$0x3FA8]  }
0x31: {  	[smem:$0x3FB1] =	sst s10  }
0x32: {  	s10 =	sld [smem:$0x3FAF];
	_ =	sdelay $0x3  }
0x33: {  	p0 =	seq.s32 s10, $0x1;
	s10 =	sld [smem:$0x3FB1];
	_ =	sdelay $0x3  }
0x34: {  	[smem:$0x3FB1] =	sst s10  }
0x35: {  	s10 =	sld [smem:$0x3FB0];
	_ =	sdelay $0x3  }
0x36: {  	p1 =	seq.s32 s10, $0x1;
	s10 =	sld [smem:$0x3FB1];
	_ =	sdelay $0x3  }
0x37: {  	[smem:$0x3FB1] =	sst s10  }
0x38: {  	s10 =	sld [smem:$0x3FB2]  }
0x39: {  	_ = 	snop;
	(pc) =	sbr.ind lr, $3  }
0x3a: {  	_ = 	snop  }
0x3b: {  	_ = 	snop  }
0x3c: {  	p2 =	seq.s32 s10, $0x1;
	s10 =	sld [smem:$0x3FB1]  }
0x3d: {  	_ =	shalt  }
0x3e: {  	_ =	shalt  }
0x3f: {  	_ =	shalt  }
0x40: {  	_ =	shalt  }
0x41: {  	_ =	shalt  }
0x42: {  	_ =	shalt  }
0x43: {  	_ =	shalt  }
0x44: {  	_ =	shalt  }
0x45: {  	_ =	shalt  }
0x46: {  	_ =	shalt  }
0x47: {  	_ =	shalt  }
0x48: {  	_ =	shalt  }
0x49: {  	_ =	shalt  }
0x4a: {  	_ =	shalt  }
0x4b: {  	_ =	shalt  }
0x4c: {  	_ =	shalt  }
0x4d: {  	_ =	shalt  }
0x4e: {  	_ =	shalt  }
0x4f: {  	_ =	shalt  }
0x50: {  	_ =	shalt  }
0x51: {  	_ =	shalt  }
0x52: {  	_ =	shalt  }
0x53: {  	_ =	shalt  }
0x54: {  	_ =	shalt  }
0x55: {  	_ =	shalt  }
0x56: {  	_ =	shalt  }
0x57: {  	_ =	shalt  }
0x58: {  	_ =	shalt  }
0x59: {  	_ =	shalt  }
0x5a: {  	_ =	shalt  }
0x5b: {  	_ =	shalt  }
0x5c: {  	_ =	shalt  }
0x5d: {  	_ =	shalt  }
0x5e: {  	_ =	shalt  }
0x5f: {  	_ =	shalt  }
0x60: {  	_ =	shalt  }
0x61: {  	_ =	shalt  }
0x62: {  	_ =	shalt  }
0x63: {  	_ =	shalt  }
0x64: {  	_ =	shalt  }
0x65: {  	_ =	shalt  }
0x66: {  	_ =	shalt  }
0x67: {  	_ =	shalt  }
0x68: {  	_ =	shalt  }
0x69: {  	_ =	shalt  }
0x6a: {  	_ =	shalt  }
0x6b: {  	_ =	shalt  }
0x6c: {  	_ =	shalt  }
0x6d: {  	_ =	shalt  }
0x6e: {  	_ =	shalt  }
0x6f: {  	_ =	shalt  }
0x70: {  	_ =	shalt  }
0x71: {  	_ =	shalt  }
0x72: {  	_ =	shalt  }
0x73: {  	_ =	shalt  }
0x74: {  	_ =	shalt  }
0x75: {  	_ =	shalt  }
0x76: {  	_ =	shalt  }
0x77: {  	_ =	shalt  }
0x78: {  	_ =	shalt  }
0x79: {  	_ =	shalt  }
0x7a: {  	_ =	shalt  }
0x7b: {  	_ =	shalt  }
0x7c: {  	_ =	shalt  }
0x7d: {  	_ =	shalt  }
0x7e: {  	_ =	shalt  }
0x7f: {  	_ =	shalt  }
0x80: {  	_ =	shalt  }
0x81: {  	_ =	shalt  }
0x82: {  	_ =	shalt  }
0x83: {  	_ =	shalt  }
0x84: {  	_ =	shalt  }
0x85: {  	_ =	shalt  }
0x86: {  	_ =	shalt  }
0x87: {  	_ =	shalt  }
.Lfunc_end0:
.L_simem_size_0:
called_computation_lowered:
.L_overlay_start_0:
0x88: {  	s2 =	sld [smem:$0x3FD9]  }
0x89: {  	s3 =	sld [smem:$0x3FFE];
	_ =	sdelay $0x1  }
0x8a: {  	s1 =	srdreg.scid  }
0x8b: {  	s0 =	sand.u32 $0x1, s1  }
0x8c: {  	s17 =	sshll.u32 s0, $0xA;
	s2 =	sadd.s32 s3, s2  }
0x8d: {  	s2 =	sadd.s32 s2, s17  }
0x8e: {  	[smem:$0x3FBD] =	sst s2  }
0x8f: {  	_ = 	snop  }
0x90: {  	s2 =	sld [smem:$0x3FD0];
	(tm) =	ssettm $0x1  }
0x91: {  	s18 =	sld [smem:$0x3FFB];
	_ =	sdelay $0x3  }
0x92: {  	_ =	strace s18  }
0x93: {  	s3 =	sld [smem:$0x3FFC];
	_ =	sdelay $0x3  }
0x94: {  	_ =	strace s3  }
0x95: {  	s3 =	sld [smem:$0x3FFD];
	_ =	sdelay $0x3  }
0x96: {  	_ =	strace s3  }
0x97: {  	_ =	strace $0x8FFFFFFF  }
0x98: {  	s19 =	sld [smem:$0x3FDB];
	_ =	sdelay $0x1  }
0x99: {  	s4 =	simm.s32 $_scs_section_size  }
0x9a: {  	s5 =	simm.s32 $_size__tile_overlayer_lowered;
	s6 =	simm.s32 $_tile_overlayer_lowered  }
0x9b: {  	s22 =	simm.s32 $0x1BFF;
	s21 =	sshll.u32 s6, $0x1;
	s3 =	sadd.s32 s4, s19  }
0x9c: {  	s7 =	simm.s32 $0x0;
	s20 =	sshll.u32 s5, $0x1;
	s5 =	sadd.s32 s21, s3  }
0x9d: {  	[timem:s7], [sflag:s22] =	dma.local [hbm:s5], s20  }
0x9e: {  	_ =	swait.ge [sflag:s22], s20  }
0x9f: {  	s4 =	ssub.s32 $0x0, s20;
	[sflag:s22] =	ssyncset.done $0x0  }
0xa0: {  	[sflag:s22] =	ssyncadd.s32 s4;
	_ =	sdelay $0x1  }
0xa1: {  	s23 =	simm.s32 $0x1B8B  }
0xa2: {  	_ =	swait.ge [sflag:s23], $0x1  }
0xa3: {  	[sflag:s23] =	ssyncset.done $0x0  }
0xa4: {  	s25 =	simm.s32 $0x1B8E;
	s24 =	sld [smem:$0x3FFE];
	[sflag:s23] =	ssyncadd.s32 $0xFFFFFFFF  }
0xa5: {  	s26 =	simm.s32 $execute0_lowered;
	[smem:$0x3FD2] =	sst s25  }
0xa6: {  	s5 =	sshll.u32 s26, $0x1;
	_ =	strace $0x80000046;
	[dreg:$0x1] =	wrdreg $0xFFFFFFFF  }
0xa7: {  	s28 =	simm.s32 $_size_execute0_lowered;
	s3 =	sadd.s32 s3, s5;
	[dreg:$0x0] =	wrdreg $0x0  }
0xa8: {  	s5 =	sshll.u32 s28, $0x1;
	[dreg:$0x2] =	wrdreg s3  }
0xa9: {  	[dreg:$0x3] =	wrdreg s5  }
0xaa: {  	[dreg:$0x4] =	wrdreg $0xC0  }
0xab: {  	_ =	task [dreg:s7], $0x5FFFF  }
0xac: {  	[dreg:$0x1] =	wrdreg $0xFFFFFFFF  }
0xad: {  	[dreg:$0x0] =	wrdreg $0x60  }
0xae: {  	[dreg:$0x2] =	wrdreg s24  }
0xaf: {  	[dreg:$0x3] =	wrdreg s2  }
0xb0: {  	[dreg:$0x4] =	wrdreg $0x4C800  }
0xb1: {  	[dreg:$0x5] =	wrdreg $0x9  }
0xb2: {  	_ =	task.clear_ibuf [dreg:s7], $0x6FFFF;
	_ =	strace $0x90000046  }
0xb3: {  	s29 =	simm.s32 $0x9;
	_ =	strace $0x80000048  }
0xb4: {  	_ =	swait.ge [sflag:s29], $0x1  }
0xb5: {  	[sflag:s29] =	ssyncadd.s32 $0xFFFFFFFF  }
0xb6: {  	_ =	strace $0x90000048  }
0xb7: {  	_ =	sfence  }
0xb8: {  	s30 =	sld [smem:$0x0];
	_ =	sdelay $0x2  }
0xb9: {  	s31 =	sshll.u32 s1, $0xD;
	s1 =	sshrl.u32 s1, $0x2  }
0xba: {  	s3 =	sand.u32 $0x4000, s31;
	s1 =	sadd.s32 s1, s30  }
0xbb: {  	s0 =	sor.u32 s3, s0;
	s1 =	sshll.u32 s1, $0x11  }
0xbc: {  	s0 =	sor.u32 s1, s0  }
0xbd: {  	s0 =	sadd.s32 $0x8F2B, s0  }
0xbe: {  	[sflag:s0] =	ssyncadd.remote.s32 $0x1  }
0xbf: {  	_ =	sfence.sel $0xFFFF  }
0xc0: {  	[dreg:$0x0] =	wrdreg $0xFFFFFFFF;
	(pc) =	sbr.abs _section_cstart, $3  }
0xc1: {  	[dreg:$0x1] =	wrdreg $0xFFFFFFFF  }
0xc2: {  	_ =	task.clear_ibuf [dreg:s7], $0x2FFFF;
	_ =	strace $0x9FFFFFFF  }
0xc3: {  	(tm) =	ssettm $0x7FFFFFFF  }
tec
execute0_lowered:
.L_overlay_start_1:
0x0: {  	(tag) =	ssettag $0x1  }
0x1: {  	s5 =	rddreg [dreg:$0x0]  }
0x2: {  	s2 =	rddreg [dreg:$0x1]  }
0x3: {  	s3 =	rddreg [dreg:$0x2]  }
0x4: {  	s0 =	srdreg.scid;
	s1 =	rddreg [dreg:$0x3]  }
0x5: {  	s4 =	simm.s32 $0x0;
	s13 =	simm.s32 $0x1;
	s16 =	simm.s32 $0x10  }
0x6: {  	s17 =	simm.s32 $0x0;
	s6 =	sand.u32 $0x1, s0;
	s0 =	stileid.u32  }
0x7: {  	[smem:$0x7FF] =	sst s4;
	s7 =	sshll.u32 s6, $0x4;
	s9 =	smul.u32 $0xC80, s0  }
0x8: {  	_ =	strace $0x80000047;
	s6 =	ssub.s32 $0x2, s6;
	s31 =	sshll.u32 s0, $0x6  }
0x9: {  	s15 =	smul.u32 $0x320, s0;
	s8 =	sor.u32 s0, s7;
	s11 =	sadd.s32 s7, s5  }
0xa: {  	s30 =	sshrl.u32 s6, $0x1;
	s8 =	smul.u32 $0x980, s8;
	s10 =	sshrl.u32 s9, $0x3  }
0xb: {  	s12 =	ssub.s32 s6, s30;
	s9 =	sadd.s32 s9, s3;
	s6 =	sor.u32 $0x1C02, s31  }
0xc: {  	s14 =	sadd.s32 $0x2A800, s11;
	s11 =	simm.s32 $0x4C00;
	s10 =	sadd.s32 s10, s5  }
0xd: {  	s9 =	sshrl.u32 s9, $0x3;
	s14 =	sadd.s32 s15, s14;
	s15 =	simm.s32 $0x20  }
0xe: {  	s8 =	sadd.s32 s8, s5;
	s5 =	sadd.s32 $0x28E00, s10;
	s10 =	simm.s32 $0x2  }
0xf: {  	s7 =	sadd.s32 $0x2E00, s8;
	s8 =	smax.u32 s12, $0x1;
	s12 =	simm.s32 $0x80  }
.LBB2_1:
0x10: {  	[spmem:s9], [sflag:s6] =	dma.local [hbm:s5], $0x190  }
0x11: {  	_ =	swait.ge [sflag:s10], $0x190  }
0x12: {  	[sflag:s10] =	ssyncset.done $0x0  }
0x13: {  	[sflag:s10] =	ssyncadd.s32 $0xFFFFFE70  }
0x14: {  	[tilespmem:s11], [sflag:$0x2] =	stream.linear.gather [hbm4b:s2+s4], $0x80, $0x38;
	[tilespmem:$0x5900] =	vst v63  }
0x15: {  	_ =	swait.ge [sflag:s10], $0x80  }
0x16: {  	[sflag:s10] =	ssyncset.done $0x0  }
0x17: {  	[sflag:s10] =	ssyncadd.s32 $0xFFFFFF80  }
0x18: {  	[tilespmem:s4], [sflag:$0x2] =	stream.linear.gather [hbm4b:s7+s4], $0x4C00, $0x38;
	[tilespmem:$0x5900] =	vst v63  }
0x19: {  	_ =	swait.ge [sflag:s10], $0x4C00  }
0x1a: {  	[sflag:s10] =	ssyncset.done $0x0  }
0x1b: {  	[sflag:s10] =	ssyncadd.s32 $0xFFFFB400  }
0x1c: {  	s18 =	simm.s32 $0x0;
	[bflag:$0x0] =	sbarrier.arrive $0xFFFF  }
0x1d: {  	[spmem:s3] =	stream.indirect.scatter.add.f32 [tilespmem:s11], [sflag:$0x1], $0x1, s18, s12, $0xb8;
	[tilespmem:$0x5900] =	vst v63  }
0x1e: {  	s24 =	simm.s32 $0x80  }
0x1f: {  	[spmem:s3] =	stream.indirect.scatter.add.f32 [tilespmem:s11], [sflag:$0x1], $0x1, s24, s12, $0xb8;
	[tilespmem:$0x5900] =	vst v63  }
0x20: {  	s25 =	simm.s32 $0x100  }
0x21: {  	[spmem:s3] =	stream.indirect.scatter.add.f32 [tilespmem:s11], [sflag:$0x1], $0x1, s25, s12, $0xb8;
	[tilespmem:$0x5900] =	vst v63  }
0x22: {  	s26 =	simm.s32 $0x180  }
0x23: {  	[spmem:s3] =	stream.indirect.scatter.add.f32 [tilespmem:s11], [sflag:$0x1], $0x1, s26, s12, $0xb8;
	[tilespmem:$0x5900] =	vst v63  }
0x24: {  	s28 =	simm.s32 $0x200  }
0x25: {  	[spmem:s3] =	stream.indirect.scatter.add.f32 [tilespmem:s11], [sflag:$0x1], $0x1, s28, s12, $0xb8;
	[tilespmem:$0x5900] =	vst v63  }
0x26: {  	s29 =	simm.s32 $0x280  }
0x27: {  	[spmem:s3] =	stream.indirect.scatter.add.f32 [tilespmem:s11], [sflag:$0x1], $0x1, s29, s12, $0xb8;
	[tilespmem:$0x5900] =	vst v63  }
0x28: {  	s30 =	simm.s32 $0x300  }
0x29: {  	[spmem:s3] =	stream.indirect.scatter.add.f32 [tilespmem:s11], [sflag:$0x1], $0x1, s30, s12, $0xb8;
	[tilespmem:$0x5900] =	vst v63  }
0x2a: {  	s31 =	simm.s32 $0x380  }
0x2b: {  	[spmem:s3] =	stream.indirect.scatter.add.f32 [tilespmem:s11], [sflag:$0x1], $0x1, s31, s12, $0xb8;
	[tilespmem:$0x5900] =	vst v63  }
0x2c: {  	_ =	swait.ge [sflag:s13], $0x80  }
0x2d: {  	[sflag:s13] =	ssyncset.done $0x0  }
0x2e: {  	[sflag:s13] =	ssyncadd.s32 $0xFFFFFF80  }
0x2f: {  	_ =	swait.ge [sflag:s13], $0x80  }
0x30: {  	[sflag:s13] =	ssyncset.done $0x0  }
0x31: {  	[sflag:s13] =	ssyncadd.s32 $0xFFFFFF80  }
0x32: {  	_ =	swait.ge [sflag:s13], $0x80  }
0x33: {  	[sflag:s13] =	ssyncset.done $0x0  }
0x34: {  	[sflag:s13] =	ssyncadd.s32 $0xFFFFFF80  }
0x35: {  	_ =	swait.ge [sflag:s13], $0x80  }
0x36: {  	[sflag:s13] =	ssyncset.done $0x0  }
0x37: {  	[sflag:s13] =	ssyncadd.s32 $0xFFFFFF80  }
0x38: {  	_ =	swait.ge [sflag:s13], $0x80  }
0x39: {  	[sflag:s13] =	ssyncset.done $0x0  }
0x3a: {  	[sflag:s13] =	ssyncadd.s32 $0xFFFFFF80  }
0x3b: {  	_ =	swait.ge [sflag:s13], $0x80  }
0x3c: {  	[sflag:s13] =	ssyncset.done $0x0  }
0x3d: {  	[sflag:s13] =	ssyncadd.s32 $0xFFFFFF80  }
0x3e: {  	_ =	swait.ge [sflag:s13], $0x80  }
0x3f: {  	[sflag:s13] =	ssyncset.done $0x0  }
0x40: {  	[sflag:s13] =	ssyncadd.s32 $0xFFFFFF80  }
0x41: {  	_ =	swait.ge [sflag:s13], $0x80  }
0x42: {  	s20 =	simm.s32 $0x2000;
	s18 =	simm.s32 $0x1000;
	[sflag:s13] =	ssyncset.done $0x0  }
.LBB2_2:
0x43: {  	s21 =	sshra.s32 s18, $0x2  }
0x44: {  	[sflag:s13] =	ssyncadd.s32 $0xFFFFFF80;
	s18 =	smov.u32 s20;
	s19 =	sadd.s32 $0x1000, s20  }
0x45: {  	[spmem:s3] =	stream.indirect.scatter.add.f32 [tilespmem:s11], [sflag:$0x1], $0x1, s21, s12, $0xb8;
	[tilespmem:$0x5900] =	vst v63  }
0x46: {  	p0 =	sne.s32 s20, $0x12000;
	s20 =	sadd.s32 $0x80, s21  }
0x47: {  	[spmem:s3] =	stream.indirect.scatter.add.f32 [tilespmem:s11], [sflag:$0x1], $0x1, s20, s12, $0xb8;
	[tilespmem:$0x5900] =	vst v63  }
0x48: {  	s20 =	sadd.s32 $0x100, s21  }
0x49: {  	[spmem:s3] =	stream.indirect.scatter.add.f32 [tilespmem:s11], [sflag:$0x1], $0x1, s20, s12, $0xb8;
	[tilespmem:$0x5900] =	vst v63  }
0x4a: {  	s20 =	sadd.s32 $0x180, s21  }
0x4b: {  	[spmem:s3] =	stream.indirect.scatter.add.f32 [tilespmem:s11], [sflag:$0x1], $0x1, s20, s12, $0xb8;
	[tilespmem:$0x5900] =	vst v63  }
0x4c: {  	s20 =	sadd.s32 $0x200, s21  }
0x4d: {  	[spmem:s3] =	stream.indirect.scatter.add.f32 [tilespmem:s11], [sflag:$0x1], $0x1, s20, s12, $0xb8;
	[tilespmem:$0x5900] =	vst v63  }
0x4e: {  	s20 =	sadd.s32 $0x280, s21  }
0x4f: {  	[spmem:s3] =	stream.indirect.scatter.add.f32 [tilespmem:s11], [sflag:$0x1], $0x1, s20, s12, $0xb8;
	[tilespmem:$0x5900] =	vst v63  }
0x50: {  	s20 =	sadd.s32 $0x300, s21  }
0x51: {  	[spmem:s3] =	stream.indirect.scatter.add.f32 [tilespmem:s11], [sflag:$0x1], $0x1, s20, s12, $0xb8;
	[tilespmem:$0x5900] =	vst v63  }
0x52: {  	s20 =	sadd.s32 $0x380, s21  }
0x53: {  	[spmem:s3] =	stream.indirect.scatter.add.f32 [tilespmem:s11], [sflag:$0x1], $0x1, s20, s12, $0xb8;
	[tilespmem:$0x5900] =	vst v63  }
0x54: {  	_ =	swait.ge [sflag:s13], $0x80  }
0x55: {  	[sflag:s13] =	ssyncset.done $0x0  }
0x56: {  	[sflag:s13] =	ssyncadd.s32 $0xFFFFFF80  }
0x57: {  	_ =	swait.ge [sflag:s13], $0x80  }
0x58: {  	[sflag:s13] =	ssyncset.done $0x0  }
0x59: {  	[sflag:s13] =	ssyncadd.s32 $0xFFFFFF80  }
0x5a: {  	_ =	swait.ge [sflag:s13], $0x80  }
0x5b: {  	[sflag:s13] =	ssyncset.done $0x0  }
0x5c: {  	[sflag:s13] =	ssyncadd.s32 $0xFFFFFF80  }
0x5d: {  	_ =	swait.ge [sflag:s13], $0x80  }
0x5e: {  	[sflag:s13] =	ssyncset.done $0x0  }
0x5f: {  	[sflag:s13] =	ssyncadd.s32 $0xFFFFFF80  }
0x60: {  	_ =	swait.ge [sflag:s13], $0x80  }
0x61: {  	[sflag:s13] =	ssyncset.done $0x0  }
0x62: {  	[sflag:s13] =	ssyncadd.s32 $0xFFFFFF80  }
0x63: {  	_ =	swait.ge [sflag:s13], $0x80  }
0x64: {  	[sflag:s13] =	ssyncset.done $0x0  }
0x65: {  	[sflag:s13] =	ssyncadd.s32 $0xFFFFFF80  }
.Ltmp0:
0x66: {  	_ =	swait.ge [sflag:s13], $0x80;
	(pc) =	sbr.rel @p0 .LBB2_2-.Ltmp0, $4  }
0x67: {  	[sflag:s13] =	ssyncset.done $0x0  }
0x68: {  	[sflag:s13] =	ssyncadd.s32 $0xFFFFFF80  }
0x69: {  	_ =	swait.ge [sflag:s13], $0x80  }
0x6a: {  	s20 =	smov.u32 s19;
	[sflag:s13] =	ssyncset.done $0x0  }
0x6b: {  	s18 =	sshra.s32 s18, $0x2;
	[sflag:s13] =	ssyncadd.s32 $0xFFFFFF80  }
0x6c: {  	[spmem:s3] =	stream.indirect.scatter.add.f32 [tilespmem:s11], [sflag:$0x1], $0x1, s18, s12, $0xb8;
	[tilespmem:$0x5900] =	vst v63  }
0x6d: {  	s19 =	sadd.s32 $0x80, s18  }
0x6e: {  	[spmem:s3] =	stream.indirect.scatter.add.f32 [tilespmem:s11], [sflag:$0x1], $0x1, s19, s12, $0xb8;
	[tilespmem:$0x5900] =	vst v63  }
0x6f: {  	s26 =	sadd.s32 $0x100, s18  }
0x70: {  	[spmem:s3] =	stream.indirect.scatter.add.f32 [tilespmem:s11], [sflag:$0x1], $0x1, s26, s12, $0xb8;
	[tilespmem:$0x5900] =	vst v63  }
0x71: {  	s28 =	sadd.s32 $0x180, s18  }
0x72: {  	[spmem:s3] =	stream.indirect.scatter.add.f32 [tilespmem:s11], [sflag:$0x1], $0x1, s28, s12, $0xb8;
	[tilespmem:$0x5900] =	vst v63  }
0x73: {  	s29 =	sadd.s32 $0x200, s18  }
0x74: {  	[spmem:s3] =	stream.indirect.scatter.add.f32 [tilespmem:s11], [sflag:$0x1], $0x1, s29, s12, $0xb8;
	[tilespmem:$0x5900] =	vst v63  }
0x75: {  	s30 =	sadd.s32 $0x280, s18  }
0x76: {  	[spmem:s3] =	stream.indirect.scatter.add.f32 [tilespmem:s11], [sflag:$0x1], $0x1, s30, s12, $0xb8;
	[tilespmem:$0x5900] =	vst v63  }
0x77: {  	s31 =	sadd.s32 $0x300, s18  }
0x78: {  	[spmem:s3] =	stream.indirect.scatter.add.f32 [tilespmem:s11], [sflag:$0x1], $0x1, s31, s12, $0xb8;
	[tilespmem:$0x5900] =	vst v63  }
0x79: {  	s18 =	sadd.s32 $0x380, s18  }
0x7a: {  	[spmem:s3] =	stream.indirect.scatter.add.f32 [tilespmem:s11], [sflag:$0x1], $0x1, s18, s12, $0xb8;
	[tilespmem:$0x5900] =	vst v63  }
0x7b: {  	_ =	swait.ge [sflag:s13], $0x80  }
0x7c: {  	[sflag:s13] =	ssyncset.done $0x0  }
0x7d: {  	[sflag:s13] =	ssyncadd.s32 $0xFFFFFF80  }
0x7e: {  	_ =	swait.ge [sflag:s13], $0x80  }
0x7f: {  	[sflag:s13] =	ssyncset.done $0x0  }
0x80: {  	[sflag:s13] =	ssyncadd.s32 $0xFFFFFF80  }
0x81: {  	_ =	swait.ge [sflag:s13], $0x80  }
0x82: {  	[sflag:s13] =	ssyncset.done $0x0  }
0x83: {  	[sflag:s13] =	ssyncadd.s32 $0xFFFFFF80  }
0x84: {  	_ =	swait.ge [sflag:s13], $0x80  }
0x85: {  	[sflag:s13] =	ssyncset.done $0x0  }
0x86: {  	[sflag:s13] =	ssyncadd.s32 $0xFFFFFF80  }
0x87: {  	_ =	swait.ge [sflag:s13], $0x80  }
0x88: {  	[sflag:s13] =	ssyncset.done $0x0  }
0x89: {  	[sflag:s13] =	ssyncadd.s32 $0xFFFFFF80  }
0x8a: {  	_ =	swait.ge [sflag:s13], $0x80  }
0x8b: {  	[sflag:s13] =	ssyncset.done $0x0  }
0x8c: {  	[sflag:s13] =	ssyncadd.s32 $0xFFFFFF80  }
0x8d: {  	_ =	swait.ge [sflag:s13], $0x80  }
0x8e: {  	[sflag:s13] =	ssyncset.done $0x0  }
0x8f: {  	[sflag:s13] =	ssyncadd.s32 $0xFFFFFF80  }
0x90: {  	_ =	swait.ge [sflag:s13], $0x80  }
0x91: {  	s17 =	sadd.s32 $0x1, s17;
	[sflag:s13] =	ssyncset.done $0x0  }
0x92: {  	p0 =	sne.s32 s17, s8;
	[sflag:s13] =	ssyncadd.s32 $0xFFFFFF80  }
.Ltmp1:
0x93: {  	[bflag:$0x0] =	sbarrier.arrive $0xFFFF;
	(pc) =	sbr.rel @p0 .LBB2_1-.Ltmp1, $4  }
0x94: {  	[hbm:s14@s15], [sflag:s6] =	dma.strided [spmem:s9@s16], $0x190, s13, $0x10   }
0x95: {  	_ =	swait.ge [sflag:s10], $0x190  }
0x96: {  	[sflag:s10] =	ssyncset.done $0x0  }
0x97: {  	[sflag:s10] =	ssyncadd.s32 $0xFFFFFE70  }
0x98: {  	_ =	sfence.sel $0x180000  }
0x99: {  	[bflag:$0x0] =	sbarrier.arrive $0xFFFF  }
0x9a: {  	p0 =	sne.s32 s0, $0x0;
	_ =	strace $0x90000047  }
0x9b: {  	s0 =	sadd.s32 @!p0 $0x100000, s1;
	[bflag:$0x2] =	sbarrier.arrive $0xFFFF  }
0x9c: {  	[sflag:s0] =	ssyncadd.tile.s32 @!p0 $0x1;
	_ =	shalt  }
.Lfunc_end2:
_tile_overlayer_lowered:
.L_overlay_start_2:
0x9d: {  	(tag) =	ssettag $0x2  }
0x9e: {  	s0 =	rddreg [dreg:$0x0];
	s2 =	stileid.u32  }
0x9f: {  	s1 =	rddreg [dreg:$0x1];
	p0 =	sne.s32 s2, $0x0  }
0xa0: {  	s3 =	rddreg [dreg:$0x2];
	[bflag:$0x3] =	sbarrier.arrive $0xFFFF;
	s2 =	simm.s32 @!p0 $0x1C02  }
0xa1: {  	[timem:s3], [sflag:s2] =	dma.local @!p0 [hbm:s0], s1  }
0xa2: {  	s0 =	simm.s32 @!p0 $0x2  }
0xa3: {  	_ =	swait.ge @!p0 [sflag:s0], s1  }
0xa4: {  	s1 =	ssub.s32 @!p0 $0x0, s1;
	[sflag:s0] =	ssyncset.done @!p0 $0x0  }
0xa5: {  	[sflag:s0] =	ssyncadd.s32 @!p0 s1  }
0xa6: {  	[bflag:$0x3] =	sbarrier.arrive $0xFFFF  }
0xa7: {  	_ =	shalt  }

// kernel: kernel.9.cloned.1.call-start
scs
__scs_entry_jumppad:
0x0: {  	(pc) =	sbr.rel $0x88, $3  }
0x1: {  	(tag) =	ssettag $0x0;
	lr =	simm.s32 $0x1  }
0x2: {  	[smem:$0x3F96] =	sst lr;
	_ =	strace $0xD0000000  }
0x3: {  	_ = 	snop  }
0x4: {  	_ = 	snop  }
0x5: {  	_ = 	snop  }
0x6: {  	_ = 	snop  }
0x7: {  	_ = 	snop  }
__scs_overlays_trampoline_lowered:
0x8: {  	[smem:$0x3FA5] =	sst s0  }
0x9: {  	[smem:$0x3FA6] =	sst s1  }
0xa: {  	[smem:$0x3FA7] =	sst s2  }
0xb: {  	[smem:$0x3FA8] =	sst s3  }
0xc: {  	[smem:$0x3FA9] =	sst s4  }
0xd: {  	[smem:$0x3FAA] =	sst s5  }
0xe: {  	[smem:$0x3FAB] =	sst s6  }
0xf: {  	[smem:$0x3FAC] =	sst s7  }
0x10: {  	[smem:$0x3FAD] =	sst s8  }
0x11: {  	[smem:$0x3FAE] =	sst s9;
	s0 =	simm.s32 @!p0 $0x0  }
0x12: {  	s1 =	sld [smem:$0x3F94];
	s0 =	simm.s32 @p0 $0x1  }
0x13: {  	[smem:$0x3FAF] =	sst s0;
	s0 =	simm.s32 @!p1 $0x0  }
0x14: {  	s2 =	sld [smem:$0x3F93];
	s0 =	simm.s32 @p1 $0x1  }
0x15: {  	[smem:$0x3FB0] =	sst s0;
	s0 =	simm.s32 @!p2 $0x0  }
0x16: {  	s3 =	sld [smem:$0x3FDB];
	s0 =	simm.s32 @p2 $0x1  }
0x17: {  	s4 =	simm.s32 $0x1BF5;
	[smem:$0x3FB2] =	sst s0  }
0x18: {  	s0 =	sld [smem:$0x3F95];
	_ =	swait.ge [sflag:s4], $0x0  }
0x19: {  	s7 =	sld [smem:$0x3F96]  }
0x1a: {  	s8 =	sadd.s32 $0xFFFFE003, lr  }
0x1b: {  	s9 =	sadd.s32 $0xFFFFFEF7, lr;
	s5 =	simm.s32 $0xFFFFFFFF;
	p2 =	slt.u32 s8, $0xFFFFF086  }
0x1c: {  	p1 =	slt.u32 s9, $0xF7A;
	s5 =	simm.s32 @!p2 $0x0  }
0x1d: {  	s5 =	simm.s32 @p1 $0x1;
	p0 =	seq.s32 s7, s2  }
0x1e: {  	s7 =	smul.u32 @!p0 $0xF7A, s2;
	p2 =	seq.s32 @!p0 s5, $0x0  }
0x1f: {  	s9 =	smul.u32 $0xF7A, s1;
	s8 =	simm.s32 @!p0 $0x1BF5;
	p2 =	por !p2, p0  }
0x20: {  	[sflag:s8] =	ssyncset.s32 @!p0 $0xFFFFF086;
	s6 =	sadd.s32 @!p0 s3, s7;
	s7 =	simm.s32 @!p0 $0x108  }
0x21: {  	s3 =	sadd.s32 s3, s9;
	s6 =	sadd.s32 @!p0 $0x88, s6;
	s7 =	simm.s32 @p2 $0x1082  }
0x22: {  	[simem:s7], [sflag:s8] =	dma.local @!p0 [hbm:s6], $0xF7A  }
0x23: {  	s9 =	sor.u32 $0xD0000000, s2;
	s6 =	simm.s32 $0x108;
	_ =	swait.ge @!p0 [sflag:s8], $0x0  }
0x24: {  	s3 =	sadd.s32 $0x88, s3;
	s6 =	simm.s32 @!p1 $0x1082;
	[sflag:s4] =	ssyncset.s32 $0xFFFFF086  }
0x25: {  	[simem:s6], [sflag:s4] =	dma.local [hbm:s3], $0xF7A  }
0x26: {  	[smem:$0x3F96] =	sst s1;
	(tag) =	ssettag s2;
	_ =	strace s9  }
0x27: {  	s1 =	sld [smem:$0x3FA6]  }
0x28: {  	s2 =	sld [smem:$0x3FA7]  }
0x29: {  	s4 =	sld [smem:$0x3FA9]  }
0x2a: {  	p0 =	seq.s32 s5, $0x0;
	s5 =	sld [smem:$0x3FAA]  }
0x2b: {  	s6 =	sld [smem:$0x3FAB]  }
0x2c: {  	s7 =	sld [smem:$0x3FAC]  }
0x2d: {  	s3 =	simm.s32 $0x108;
	s8 =	sld [smem:$0x3FAD]  }
0x2e: {  	s3 =	simm.s32 @!p0 $0x1082;
	s9 =	sld [smem:$0x3FAE]  }
0x2f: {  	lr =	sadd.s32 s0, s3;
	s0 =	sld [smem:$0x3FA5]  }
0x30: {  	s3 =	sld [smem:$0x3FA8]  }
0x31: {  	[smem:$0x3FB1] =	sst s10  }
0x32: {  	s10 =	sld [smem:$0x3FAF];
	_ =	sdelay $0x3  }
0x33: {  	p0 =	seq.s32 s10, $0x1;
	s10 =	sld [smem:$0x3FB1];
	_ =	sdelay $0x3  }
0x34: {  	[smem:$0x3FB1] =	sst s10  }
0x35: {  	s10 =	sld [smem:$0x3FB0];
	_ =	sdelay $0x3  }
0x36: {  	p1 =	seq.s32 s10, $0x1;
	s10 =	sld [smem:$0x3FB1];
	_ =	sdelay $0x3  }
0x37: {  	[smem:$0x3FB1] =	sst s10  }
0x38: {  	s10 =	sld [smem:$0x3FB2]  }
0x39: {  	_ = 	snop;
	(pc) =	sbr.ind lr, $3  }
0x3a: {  	_ = 	snop  }
0x3b: {  	_ = 	snop  }
0x3c: {  	p2 =	seq.s32 s10, $0x1;
	s10 =	sld [smem:$0x3FB1]  }
0x3d: {  	_ =	shalt  }
0x3e: {  	_ =	shalt  }
0x3f: {  	_ =	shalt  }
0x40: {  	_ =	shalt  }
0x41: {  	_ =	shalt  }
0x42: {  	_ =	shalt  }
0x43: {  	_ =	shalt  }
0x44: {  	_ =	shalt  }
0x45: {  	_ =	shalt  }
0x46: {  	_ =	shalt  }
0x47: {  	_ =	shalt  }
0x48: {  	_ =	shalt  }
0x49: {  	_ =	shalt  }
0x4a: {  	_ =	shalt  }
0x4b: {  	_ =	shalt  }
0x4c: {  	_ =	shalt  }
0x4d: {  	_ =	shalt  }
0x4e: {  	_ =	shalt  }
0x4f: {  	_ =	shalt  }
0x50: {  	_ =	shalt  }
0x51: {  	_ =	shalt  }
0x52: {  	_ =	shalt  }
0x53: {  	_ =	shalt  }
0x54: {  	_ =	shalt  }
0x55: {  	_ =	shalt  }
0x56: {  	_ =	shalt  }
0x57: {  	_ =	shalt  }
0x58: {  	_ =	shalt  }
0x59: {  	_ =	shalt  }
0x5a: {  	_ =	shalt  }
0x5b: {  	_ =	shalt  }
0x5c: {  	_ =	shalt  }
0x5d: {  	_ =	shalt  }
0x5e: {  	_ =	shalt  }
0x5f: {  	_ =	shalt  }
0x60: {  	_ =	shalt  }
0x61: {  	_ =	shalt  }
0x62: {  	_ =	shalt  }
0x63: {  	_ =	shalt  }
0x64: {  	_ =	shalt  }
0x65: {  	_ =	shalt  }
0x66: {  	_ =	shalt  }
0x67: {  	_ =	shalt  }
0x68: {  	_ =	shalt  }
0x69: {  	_ =	shalt  }
0x6a: {  	_ =	shalt  }
0x6b: {  	_ =	shalt  }
0x6c: {  	_ =	shalt  }
0x6d: {  	_ =	shalt  }
0x6e: {  	_ =	shalt  }
0x6f: {  	_ =	shalt  }
0x70: {  	_ =	shalt  }
0x71: {  	_ =	shalt  }
0x72: {  	_ =	shalt  }
0x73: {  	_ =	shalt  }
0x74: {  	_ =	shalt  }
0x75: {  	_ =	shalt  }
0x76: {  	_ =	shalt  }
0x77: {  	_ =	shalt  }
0x78: {  	_ =	shalt  }
0x79: {  	_ =	shalt  }
0x7a: {  	_ =	shalt  }
0x7b: {  	_ =	shalt  }
0x7c: {  	_ =	shalt  }
0x7d: {  	_ =	shalt  }
0x7e: {  	_ =	shalt  }
0x7f: {  	_ =	shalt  }
0x80: {  	_ =	shalt  }
0x81: {  	_ =	shalt  }
0x82: {  	_ =	shalt  }
0x83: {  	_ =	shalt  }
0x84: {  	_ =	shalt  }
0x85: {  	_ =	shalt  }
0x86: {  	_ =	shalt  }
0x87: {  	_ =	shalt  }
.Lfunc_end0:
.L_simem_size_0:
called_computation.1_lowered:
.L_overlay_start_0:
0x88: {  	s2 =	sld [smem:$0x3FD9]  }
0x89: {  	s3 =	sld [smem:$0x3FFE];
	_ =	sdelay $0x1  }
0x8a: {  	s1 =	srdreg.scid  }
0x8b: {  	s0 =	sand.u32 $0x1, s1  }
0x8c: {  	s16 =	sshll.u32 s0, $0xA;
	s2 =	sadd.s32 s3, s2  }
0x8d: {  	s2 =	sadd.s32 s2, s16  }
0x8e: {  	[smem:$0x3FBD] =	sst s2  }
0x8f: {  	_ = 	snop  }
0x90: {  	(tm) =	ssettm $0x1  }
0x91: {  	s17 =	sld [smem:$0x3FFB];
	_ =	sdelay $0x3  }
0x92: {  	_ =	strace s17  }
0x93: {  	s2 =	sld [smem:$0x3FFC];
	_ =	sdelay $0x3  }
0x94: {  	_ =	strace s2  }
0x95: {  	s2 =	sld [smem:$0x3FFD];
	_ =	sdelay $0x3  }
0x96: {  	_ =	strace s2  }
0x97: {  	_ =	strace $0x8FFFFFFF  }
0x98: {  	s18 =	sld [smem:$0x3FDB];
	_ =	sdelay $0x1  }
0x99: {  	s19 =	simm.s32 $_scs_section_size  }
0x9a: {  	s4 =	simm.s32 $_size__tile_overlayer_lowered;
	s5 =	simm.s32 $_tile_overlayer_lowered  }
0x9b: {  	s22 =	simm.s32 $0x1BFF;
	s21 =	sshll.u32 s5, $0x1;
	s2 =	sadd.s32 s19, s18  }
0x9c: {  	s6 =	simm.s32 $0x0;
	s20 =	sshll.u32 s4, $0x1;
	s4 =	sadd.s32 s21, s2  }
0x9d: {  	[timem:s6], [sflag:s22] =	dma.local [hbm:s4], s20  }
0x9e: {  	_ =	swait.ge [sflag:s22], s20  }
0x9f: {  	s3 =	ssub.s32 $0x0, s20;
	[sflag:s22] =	ssyncset.done $0x0  }
0xa0: {  	[sflag:s22] =	ssyncadd.s32 s3;
	_ =	sdelay $0x1  }
0xa1: {  	s23 =	simm.s32 $0x1B8B  }
0xa2: {  	_ =	swait.ge [sflag:s23], $0x1  }
0xa3: {  	[sflag:s23] =	ssyncset.done $0x0  }
0xa4: {  	s25 =	simm.s32 $0x1B8E;
	s24 =	sld [smem:$0x3FFE];
	[sflag:s23] =	ssyncadd.s32 $0xFFFFFFFF  }
0xa5: {  	s26 =	simm.s32 $execute0_lowered;
	[smem:$0x3FD2] =	sst s25  }
0xa6: {  	s4 =	sshll.u32 s26, $0x1;
	_ =	strace $0x80000049;
	[dreg:$0x1] =	wrdreg $0xFFFFFFFF  }
0xa7: {  	s28 =	simm.s32 $_size_execute0_lowered;
	s2 =	sadd.s32 s2, s4;
	[dreg:$0x0] =	wrdreg $0x0  }
0xa8: {  	s4 =	sshll.u32 s28, $0x1;
	[dreg:$0x2] =	wrdreg s2  }
0xa9: {  	[dreg:$0x3] =	wrdreg s4  }
0xaa: {  	[dreg:$0x4] =	wrdreg $0xC0  }
0xab: {  	_ =	task [dreg:s6], $0x5FFFF  }
0xac: {  	[dreg:$0x1] =	wrdreg $0xFFFFFFFF  }
0xad: {  	[dreg:$0x0] =	wrdreg $0x60  }
0xae: {  	[dreg:$0x2] =	wrdreg s24  }
0xaf: {  	[dreg:$0x3] =	wrdreg $0x9C000  }
0xb0: {  	[dreg:$0x4] =	wrdreg $0x9  }
0xb1: {  	_ =	task.clear_ibuf [dreg:s6], $0x5FFFF;
	_ =	strace $0x90000049  }
0xb2: {  	s29 =	simm.s32 $0x9;
	_ =	strace $0x8000004B  }
0xb3: {  	_ =	swait.ge [sflag:s29], $0x1  }
0xb4: {  	[sflag:s29] =	ssyncadd.s32 $0xFFFFFFFF  }
0xb5: {  	_ =	strace $0x9000004B  }
0xb6: {  	_ =	sfence  }
0xb7: {  	s30 =	sld [smem:$0x0];
	_ =	sdelay $0x2  }
0xb8: {  	s31 =	sshll.u32 s1, $0xD;
	s1 =	sshrl.u32 s1, $0x2  }
0xb9: {  	s3 =	sand.u32 $0x4000, s31;
	s1 =	sadd.s32 s1, s30  }
0xba: {  	s0 =	sor.u32 s3, s0;
	s1 =	sshll.u32 s1, $0x11  }
0xbb: {  	s0 =	sor.u32 s1, s0  }
0xbc: {  	s0 =	sadd.s32 $0x8F2B, s0  }
0xbd: {  	[sflag:s0] =	ssyncadd.remote.s32 $0x1  }
0xbe: {  	_ =	sfence.sel $0xFFFF  }
0xbf: {  	[dreg:$0x0] =	wrdreg $0xFFFFFFFF;
	(pc) =	sbr.abs _section_cstart, $3  }
0xc0: {  	[dreg:$0x1] =	wrdreg $0xFFFFFFFF  }
0xc1: {  	_ =	task.clear_ibuf [dreg:s6], $0x2FFFF;
	_ =	strace $0x9FFFFFFF  }
0xc2: {  	(tm) =	ssettm $0x7FFFFFFF  }
0xc3: {  	_ =	shalt  }
tec
execute0_lowered:
.L_overlay_start_1:
0x0: {  	(tag) =	ssettag $0x1  }
0x1: {  	s0 =	srdreg.scid  }
0x2: {  	s1 =	rddreg [dreg:$0x0];
	s11 =	stileid.u32  }
0x3: {  	s2 =	rddreg [dreg:$0x1];
	s3 =	simm.s32 $0x0;
	s13 =	simm.s32 $0x80  }
0x4: {  	s14 =	simm.s32 $0x9800;
	s15 =	simm.s32 $0x9880;
	s17 =	simm.s32 $0x9900  }
0x5: {  	s19 =	simm.s32 $0x9980;
	s20 =	simm.s32 $0x1;
	s21 =	simm.s32 $0x9A00  }
0x6: {  	s22 =	simm.s32 $0x9A80;
	s23 =	simm.s32 $0x9B00;
	s25 =	simm.s32 $0x9B80  }
0x7: {  	s26 =	simm.s32 $0x3;
	s28 =	simm.s32 $0x2;
	s31 =	simm.s32 $0x0  }
0x8: {  	s0 =	sand.u32 $0x1, s0;
	[smem:$0x7FF] =	sst s3;
	s6 =	smul.u32 $0xC80, s11  }
0x9: {  	s30 =	sshll.u32 s11, $0x6;
	s12 =	smul.u32 $0x320, s11;
	s5 =	sshll.u32 s0, $0x4  }
0xa: {  	_ =	strace $0x8000004A;
	s0 =	ssub.s32 $0x2, s0;
	s4 =	sor.u32 s11, s5  }
0xb: {  	s7 =	sshrl.u32 s6, $0x3;
	s9 =	sshrl.u32 s0, $0x1;
	s10 =	sadd.s32 s6, s2  }
0xc: {  	s6 =	sor.u32 $0x1C04, s30;
	s11 =	simm.s32 $0x4;
	s4 =	smul.u32 $0x980, s4  }
0xd: {  	s7 =	sadd.s32 s7, s1;
	s0 =	ssub.s32 s0, s9;
	s10 =	sshrl.u32 s10, $0x3  }
0xe: {  	s8 =	sadd.s32 s4, s1;
	s4 =	sadd.s32 $0x2A800, s1;
	s1 =	sadd.s32 s5, s1  }
0xf: {  	s9 =	smax.u32 s0, $0x1;
	s5 =	sadd.s32 $0x28E00, s7;
	s1 =	sadd.s32 $0x2CC00, s1  }
0x10: {  	s7 =	sadd.s32 $0x15E00, s8;
	s8 =	sadd.s32 $0x2E00, s8;
	s24 =	sadd.s32 s12, s1  }
.LBB2_1:
0x11: {  	[spmem:s10], [sflag:s6] =	dma.local [hbm:s5], $0x190  }
0x12: {  	_ =	swait.ge [sflag:s11], $0x190  }
0x13: {  	[sflag:s11] =	ssyncset.done $0x0  }
0x14: {  	[sflag:s11] =	ssyncadd.s32 $0xFFFFFE70  }
0x15: {  	[tilespmem:s3], [sflag:$0x4] =	stream.linear.gather [hbm4b:s7+s3], $0x4C00, $0x38;
	[tilespmem:$0xA880] =	vst v63  }
0x16: {  	_ =	swait.ge [sflag:s11], $0x4C00  }
0x17: {  	[sflag:s11] =	ssyncset.done $0x0  }
0x18: {  	s0 =	simm.s32 $0x4C00;
	[sflag:s11] =	ssyncadd.s32 $0xFFFFB400  }
0x19: {  	[tilespmem:s0], [sflag:$0x4] =	stream.linear.gather [hbm4b:s8+s3], $0x4C00, $0x38;
	[tilespmem:$0xA880] =	vst v63  }
0x1a: {  	_ =	swait.ge [sflag:s11], $0x4C00  }
0x1b: {  	[sflag:s11] =	ssyncset.done $0x0  }
0x1c: {  	[sflag:s11] =	ssyncadd.s32 $0xFFFFB400  }
0x1d: {  	[bflag:$0x0] =	sbarrier.arrive $0xFFFF  }
0x1e: {  	[tilespmem:s14], [sflag:$0x1] =	stream.indirect.gather [hbm4b:s4+s13], $0x1, s3, s13, $0xb8;
	[tilespmem:$0xA880] =	vst v63  }
0x1f: {  	_ = 	snop  }
0x20: {  	[tilespmem:s15], [sflag:$0x1] =	stream.indirect.gather [hbm4b:s4+s13], $0x1, s13, s13, $0xb8;
	[tilespmem:$0xA880] =	vst v63  }
0x21: {  	s29 =	simm.s32 $0x100  }
0x22: {  	[tilespmem:s17], [sflag:$0x1] =	stream.indirect.gather [hbm4b:s4+s13], $0x1, s29, s13, $0xb8;
	[tilespmem:$0xA880] =	vst v63  }
0x23: {  	s30 =	simm.s32 $0x180  }
0x24: {  	[tilespmem:s19], [sflag:$0x1] =	stream.indirect.gather [hbm4b:s4+s13], $0x1, s30, s13, $0xb8;
	[tilespmem:$0xA880] =	vst v63  }
0x25: {  	_ =	swait.ge [sflag:s20], $0x80  }
0x26: {  	[sflag:s20] =	ssyncset.done $0x0  }
0x27: {  	[sflag:s20] =	ssyncadd.s32 $0xFFFFFF80  }
0x28: {  	_ =	swait.ge [sflag:s20], $0x80  }
0x29: {  	[sflag:s20] =	ssyncset.done $0x0  }
0x2a: {  	[sflag:s20] =	ssyncadd.s32 $0xFFFFFF80  }
0x2b: {  	_ =	swait.ge [sflag:s20], $0x80  }
0x2c: {  	[sflag:s20] =	ssyncset.done $0x0  }
0x2d: {  	[sflag:s20] =	ssyncadd.s32 $0xFFFFFF80  }
0x2e: {  	_ =	swait.ge [sflag:s20], $0x80  }
0x2f: {  	[sflag:s20] =	ssyncset.done $0x0  }
0x30: {  	s1 =	simm.s32 $0x200;
	[sflag:s20] =	ssyncadd.s32 $0xFFFFFF80  }
0x31: {  	[tilespmem:s21], [sflag:$0x2] =	stream.indirect.gather [hbm4b:s4+s13], $0x1, s1, s13, $0xb8;
	[tilespmem:$0xA880] =	vst v63  }
0x32: {  	s12 =	simm.s32 $0x280  }
0x33: {  	[tilespmem:s22], [sflag:$0x2] =	stream.indirect.gather [hbm4b:s4+s13], $0x1, s12, s13, $0xb8;
	[tilespmem:$0xA880] =	vst v63  }
0x34: {  	s16 =	simm.s32 $0x300  }
0x35: {  	[tilespmem:s23], [sflag:$0x2] =	stream.indirect.gather [hbm4b:s4+s13], $0x1, s16, s13, $0xb8;
	[tilespmem:$0xA880] =	vst v63  }
0x36: {  	s18 =	simm.s32 $0x380  }
0x37: {  	[tilespmem:s25], [sflag:$0x2] =	stream.indirect.gather [hbm4b:s4+s13], $0x1, s18, s13, $0xb8;
	[tilespmem:$0xA880] =	vst v63  }
0x38: {  	s29 =	simm.s32 $0x4C00  }
0x39: {  	[spmem:s2] =	stream.indirect.scatter.add.f32 [tilespmem:s14], [sflag:$0x3], $0x1, s29, s13, $0xb8;
	[tilespmem:$0xA880] =	vst v63  }
0x3a: {  	s30 =	simm.s32 $0x4C80  }
0x3b: {  	[spmem:s2] =	stream.indirect.scatter.add.f32 [tilespmem:s15], [sflag:$0x3], $0x1, s30, s13, $0xb8;
	[tilespmem:$0xA880] =	vst v63  }
0x3c: {  	s1 =	simm.s32 $0x4D00  }
0x3d: {  	[spmem:s2] =	stream.indirect.scatter.add.f32 [tilespmem:s17], [sflag:$0x3], $0x1, s1, s13, $0xb8;
	[tilespmem:$0xA880] =	vst v63  }
0x3e: {  	s12 =	simm.s32 $0x4D80  }
0x3f: {  	[spmem:s2] =	stream.indirect.scatter.add.f32 [tilespmem:s19], [sflag:$0x3], $0x1, s12, s13, $0xb8;
	[tilespmem:$0xA880] =	vst v63  }
0x40: {  	_ =	swait.ge [sflag:s26], $0x80  }
0x41: {  	[sflag:s26] =	ssyncset.done $0x0  }
0x42: {  	[sflag:s26] =	ssyncadd.s32 $0xFFFFFF80  }
0x43: {  	_ =	swait.ge [sflag:s26], $0x80  }
0x44: {  	[sflag:s26] =	ssyncset.done $0x0  }
0x45: {  	[sflag:s26] =	ssyncadd.s32 $0xFFFFFF80  }
0x46: {  	_ =	swait.ge [sflag:s26], $0x80  }
0x47: {  	[sflag:s26] =	ssyncset.done $0x0  }
0x48: {  	[sflag:s26] =	ssyncadd.s32 $0xFFFFFF80  }
0x49: {  	p0 =	por $0x0, $0x0;
	_ =	swait.ge [sflag:s26], $0x80  }
0x4a: {  	s0 =	simm.s32 @!p0 $0x9800;
	[sflag:s26] =	ssyncset.done $0x0  }
0x4b: {  	s1 =	simm.s32 @!p0 $0x400;
	s12 =	simm.s32 @!p0 $0x80;
	[sflag:s26] =	ssyncadd.s32 $0xFFFFFF80  }
0x4c: {  	[tilespmem:s0], [sflag:$0x1] =	stream.indirect.gather @!p0 [hbm4b:s4+s12], $0x1, s1, s12, $0xb8;
	[tilespmem:$0xA880] =	vst v63  }
0x4d: {  	s0 =	simm.s32 @!p0 $0x480;
	s1 =	simm.s32 @!p0 $0x9880  }
0x4e: {  	[tilespmem:s1], [sflag:$0x1] =	stream.indirect.gather @!p0 [hbm4b:s4+s12], $0x1, s0, s12, $0xb8;
	[tilespmem:$0xA880] =	vst v63  }
0x4f: {  	s0 =	simm.s32 @!p0 $0x500;
	s1 =	simm.s32 @!p0 $0x9900  }
0x50: {  	[tilespmem:s1], [sflag:$0x1] =	stream.indirect.gather @!p0 [hbm4b:s4+s12], $0x1, s0, s12, $0xb8;
	[tilespmem:$0xA880] =	vst v63  }
0x51: {  	s0 =	simm.s32 @!p0 $0x580;
	s1 =	simm.s32 @!p0 $0x9980  }
0x52: {  	[tilespmem:s1], [sflag:$0x1] =	stream.indirect.gather @!p0 [hbm4b:s4+s12], $0x1, s0, s12, $0xb8;
	[tilespmem:$0xA880] =	vst v63  }
0x53: {  	_ =	swait.ge [sflag:s28], $0x80  }
0x54: {  	[sflag:s28] =	ssyncset.done $0x0  }
0x55: {  	[sflag:s28] =	ssyncadd.s32 $0xFFFFFF80  }
0x56: {  	_ =	swait.ge [sflag:s28], $0x80  }
0x57: {  	[sflag:s28] =	ssyncset.done $0x0  }
0x58: {  	[sflag:s28] =	ssyncadd.s32 $0xFFFFFF80  }
0x59: {  	_ =	swait.ge [sflag:s28], $0x80  }
0x5a: {  	[sflag:s28] =	ssyncset.done $0x0  }
0x5b: {  	[sflag:s28] =	ssyncadd.s32 $0xFFFFFF80  }
0x5c: {  	_ =	swait.ge [sflag:s28], $0x80  }
0x5d: {  	[sflag:s28] =	ssyncset.done $0x0  }
0x5e: {  	s16 =	simm.s32 $0x4E00;
	[sflag:s28] =	ssyncadd.s32 $0xFFFFFF80  }
0x5f: {  	[spmem:s2] =	stream.indirect.scatter.add.f32 [tilespmem:s21], [sflag:$0x3], $0x1, s16, s13, $0xb8;
	[tilespmem:$0xA880] =	vst v63  }
0x60: {  	s18 =	simm.s32 $0x4E80  }
0x61: {  	[spmem:s2] =	stream.indirect.scatter.add.f32 [tilespmem:s22], [sflag:$0x3], $0x1, s18, s13, $0xb8;
	[tilespmem:$0xA880] =	vst v63  }
0x62: {  	s29 =	simm.s32 $0x4F00  }
0x63: {  	[spmem:s2] =	stream.indirect.scatter.add.f32 [tilespmem:s23], [sflag:$0x3], $0x1, s29, s13, $0xb8;
	[tilespmem:$0xA880] =	vst v63  }
0x64: {  	s30 =	simm.s32 $0x4F80  }
0x65: {  	[spmem:s2] =	stream.indirect.scatter.add.f32 [tilespmem:s25], [sflag:$0x3], $0x1, s30, s13, $0xb8;
	[tilespmem:$0xA880] =	vst v63  }
0x66: {  	_ =	swait.ge [sflag:s26], $0x80  }
0x67: {  	[sflag:s26] =	ssyncset.done $0x0  }
0x68: {  	[sflag:s26] =	ssyncadd.s32 $0xFFFFFF80  }
0x69: {  	_ =	swait.ge [sflag:s26], $0x80  }
0x6a: {  	[sflag:s26] =	ssyncset.done $0x0  }
0x6b: {  	[sflag:s26] =	ssyncadd.s32 $0xFFFFFF80  }
0x6c: {  	_ =	swait.ge [sflag:s26], $0x80  }
0x6d: {  	[sflag:s26] =	ssyncset.done $0x0  }
0x6e: {  	[sflag:s26] =	ssyncadd.s32 $0xFFFFFF80  }
0x6f: {  	_ =	swait.ge [sflag:s26], $0x80  }
0x70: {  	s1 =	simm.s32 $0x1000;
	[sflag:s26] =	ssyncset.done $0x0  }
.LBB2_2:
0x71: {  	[sflag:s26] =	ssyncadd.s32 $0xFFFFFF80;
	s12 =	smov.u32 s1;
	s1 =	sadd.s32 $0x1000, s1  }
0x72: {  	_ =	swait.ge [sflag:s20], $0x80;
	p0 =	sne.s32 s1, $0x13000  }
0x73: {  	[sflag:s20] =	ssyncset.done $0x0  }
0x74: {  	[sflag:s20] =	ssyncadd.s32 $0xFFFFFF80  }
0x75: {  	_ =	swait.ge [sflag:s20], $0x80  }
0x76: {  	[sflag:s20] =	ssyncset.done $0x0  }
0x77: {  	[sflag:s20] =	ssyncadd.s32 $0xFFFFFF80  }
0x78: {  	_ =	swait.ge [sflag:s20], $0x80  }
0x79: {  	[sflag:s20] =	ssyncset.done $0x0  }
0x7a: {  	[sflag:s20] =	ssyncadd.s32 $0xFFFFFF80  }
0x7b: {  	_ =	swait.ge [sflag:s20], $0x80  }
0x7c: {  	s0 =	sshra.s32 s12, $0x2;
	[sflag:s20] =	ssyncset.done $0x0  }
0x7d: {  	s16 =	sadd.s32 $0x200, s0;
	[sflag:s20] =	ssyncadd.s32 $0xFFFFFF80  }
0x7e: {  	[tilespmem:s21], [sflag:$0x2] =	stream.indirect.gather [hbm4b:s4+s13], $0x1, s16, s13, $0xb8;
	[tilespmem:$0xA880] =	vst v63  }
0x7f: {  	s16 =	sadd.s32 $0x280, s0  }
0x80: {  	[tilespmem:s22], [sflag:$0x2] =	stream.indirect.gather [hbm4b:s4+s13], $0x1, s16, s13, $0xb8;
	[tilespmem:$0xA880] =	vst v63  }
0x81: {  	s16 =	sadd.s32 $0x300, s0  }
0x82: {  	[tilespmem:s23], [sflag:$0x2] =	stream.indirect.gather [hbm4b:s4+s13], $0x1, s16, s13, $0xb8;
	[tilespmem:$0xA880] =	vst v63  }
0x83: {  	s16 =	sadd.s32 $0x380, s0  }
0x84: {  	[tilespmem:s25], [sflag:$0x2] =	stream.indirect.gather [hbm4b:s4+s13], $0x1, s16, s13, $0xb8;
	[tilespmem:$0xA880] =	vst v63  }
0x85: {  	s16 =	sadd.s32 $0x4C00, s0  }
0x86: {  	[spmem:s2] =	stream.indirect.scatter.add.f32 [tilespmem:s14], [sflag:$0x3], $0x1, s16, s13, $0xb8;
	[tilespmem:$0xA880] =	vst v63  }
0x87: {  	s16 =	sadd.s32 $0x4C80, s0  }
0x88: {  	[spmem:s2] =	stream.indirect.scatter.add.f32 [tilespmem:s15], [sflag:$0x3], $0x1, s16, s13, $0xb8;
	[tilespmem:$0xA880] =	vst v63  }
0x89: {  	s16 =	sadd.s32 $0x4D00, s0  }
0x8a: {  	[spmem:s2] =	stream.indirect.scatter.add.f32 [tilespmem:s17], [sflag:$0x3], $0x1, s16, s13, $0xb8;
	[tilespmem:$0xA880] =	vst v63  }
0x8b: {  	s16 =	sadd.s32 $0x4D80, s0  }
0x8c: {  	[spmem:s2] =	stream.indirect.scatter.add.f32 [tilespmem:s19], [sflag:$0x3], $0x1, s16, s13, $0xb8;
	[tilespmem:$0xA880] =	vst v63  }
0x8d: {  	_ =	swait.ge [sflag:s26], $0x80  }
0x8e: {  	[sflag:s26] =	ssyncset.done $0x0  }
0x8f: {  	[sflag:s26] =	ssyncadd.s32 $0xFFFFFF80  }
0x90: {  	_ =	swait.ge [sflag:s26], $0x80  }
0x91: {  	[sflag:s26] =	ssyncset.done $0x0  }
0x92: {  	[sflag:s26] =	ssyncadd.s32 $0xFFFFFF80  }
0x93: {  	_ =	swait.ge [sflag:s26], $0x80  }
0x94: {  	[sflag:s26] =	ssyncset.done $0x0  }
0x95: {  	[sflag:s26] =	ssyncadd.s32 $0xFFFFFF80  }
0x96: {  	p1 =	seq.s32 s12, $0x12000;
	_ =	swait.ge [sflag:s26], $0x80  }
0x97: {  	s12 =	sshra.s32 @!p1 s12, $0x2;
	s16 =	simm.s32 @!p1 $0x9800;
	[sflag:s26] =	ssyncset.done $0x0  }
0x98: {  	s29 =	simm.s32 @!p1 $0x80;
	s18 =	sadd.s32 @!p1 $0x400, s12;
	[sflag:s26] =	ssyncadd.s32 $0xFFFFFF80  }
0x99: {  	[tilespmem:s16], [sflag:$0x1] =	stream.indirect.gather @!p1 [hbm4b:s4+s29], $0x1, s18, s29, $0xb8;
	[tilespmem:$0xA880] =	vst v63  }
0x9a: {  	s30 =	sadd.s32 @!p1 $0x500, s12;
	s16 =	sadd.s32 @!p1 $0x480, s12;
	s18 =	simm.s32 @!p1 $0x9880  }
0x9b: {  	[tilespmem:s18], [sflag:$0x1] =	stream.indirect.gather @!p1 [hbm4b:s4+s29], $0x1, s16, s29, $0xb8;
	[tilespmem:$0xA880] =	vst v63  }
0x9c: {  	s12 =	sadd.s32 @!p1 $0x580, s12;
	s16 =	simm.s32 @!p1 $0x9900  }
0x9d: {  	[tilespmem:s16], [sflag:$0x1] =	stream.indirect.gather @!p1 [hbm4b:s4+s29], $0x1, s30, s29, $0xb8;
	[tilespmem:$0xA880] =	vst v63  }
0x9e: {  	s16 =	simm.s32 @!p1 $0x9980  }
0x9f: {  	[tilespmem:s16], [sflag:$0x1] =	stream.indirect.gather @!p1 [hbm4b:s4+s29], $0x1, s12, s29, $0xb8;
	[tilespmem:$0xA880] =	vst v63  }
0xa0: {  	_ =	swait.ge [sflag:s28], $0x80  }
0xa1: {  	[sflag:s28] =	ssyncset.done $0x0  }
0xa2: {  	[sflag:s28] =	ssyncadd.s32 $0xFFFFFF80  }
0xa3: {  	_ =	swait.ge [sflag:s28], $0x80  }
0xa4: {  	[sflag:s28] =	ssyncset.done $0x0  }
0xa5: {  	[sflag:s28] =	ssyncadd.s32 $0xFFFFFF80  }
0xa6: {  	_ =	swait.ge [sflag:s28], $0x80  }
0xa7: {  	[sflag:s28] =	ssyncset.done $0x0  }
0xa8: {  	[sflag:s28] =	ssyncadd.s32 $0xFFFFFF80  }
0xa9: {  	_ =	swait.ge [sflag:s28], $0x80  }
0xaa: {  	[sflag:s28] =	ssyncset.done $0x0  }
0xab: {  	s12 =	sadd.s32 $0x4E00, s0;
	[sflag:s28] =	ssyncadd.s32 $0xFFFFFF80  }
0xac: {  	[spmem:s2] =	stream.indirect.scatter.add.f32 [tilespmem:s21], [sflag:$0x3], $0x1, s12, s13, $0xb8;
	[tilespmem:$0xA880] =	vst v63  }
0xad: {  	s12 =	sadd.s32 $0x4E80, s0  }
0xae: {  	[spmem:s2] =	stream.indirect.scatter.add.f32 [tilespmem:s22], [sflag:$0x3], $0x1, s12, s13, $0xb8;
	[tilespmem:$0xA880] =	vst v63  }
0xaf: {  	s12 =	sadd.s32 $0x4F00, s0  }
0xb0: {  	[spmem:s2] =	stream.indirect.scatter.add.f32 [tilespmem:s23], [sflag:$0x3], $0x1, s12, s13, $0xb8;
	[tilespmem:$0xA880] =	vst v63  }
0xb1: {  	s0 =	sadd.s32 $0x4F80, s0  }
0xb2: {  	[spmem:s2] =	stream.indirect.scatter.add.f32 [tilespmem:s25], [sflag:$0x3], $0x1, s0, s13, $0xb8;
	[tilespmem:$0xA880] =	vst v63  }
0xb3: {  	_ =	swait.ge [sflag:s26], $0x80  }
0xb4: {  	[sflag:s26] =	ssyncset.done $0x0  }
0xb5: {  	[sflag:s26] =	ssyncadd.s32 $0xFFFFFF80  }
0xb6: {  	_ =	swait.ge [sflag:s26], $0x80  }
0xb7: {  	[sflag:s26] =	ssyncset.done $0x0  }
0xb8: {  	[sflag:s26] =	ssyncadd.s32 $0xFFFFFF80  }
.Ltmp0:
0xb9: {  	_ =	swait.ge [sflag:s26], $0x80;
	(pc) =	sbr.rel @p0 .LBB2_2-.Ltmp0, $4  }
0xba: {  	[sflag:s26] =	ssyncset.done $0x0  }
0xbb: {  	[sflag:s26] =	ssyncadd.s32 $0xFFFFFF80  }
0xbc: {  	_ =	swait.ge [sflag:s26], $0x80  }
0xbd: {  	[sflag:s26] =	ssyncset.done $0x0  }
0xbe: {  	s31 =	sadd.s32 $0x1, s31  }
0xbf: {  	[sflag:s26] =	ssyncadd.s32 $0xFFFFFF80;
	s0 =	simm.s32 $0x20;
	p0 =	sne.s32 s31, s9  }
.Ltmp1:
0xc0: {  	s1 =	simm.s32 $0x10;
	[bflag:$0x0] =	sbarrier.arrive $0xFFFF;
	(pc) =	sbr.rel @p0 .LBB2_1-.Ltmp1, $4  }
0xc1: {  	[hbm:s24@s0], [sflag:s6] =	dma.strided [spmem:s10@s1], $0x190, s20, $0x10   }
0xc2: {  	_ =	swait.ge [sflag:s11], $0x190  }
0xc3: {  	[sflag:s11] =	ssyncset.done $0x0  }
0xc4: {  	[sflag:s11] =	ssyncadd.s32 $0xFFFFFE70  }
0xc5: {  	_ =	sfence.sel $0x180000  }
0xc6: {  	[bflag:$0x0] =	sbarrier.arrive $0xFFFF  }
0xc7: {  	_ =	strace $0x9000004A  }
0xc8: {  	s0 =	stileid.u32;
	[bflag:$0x2] =	sbarrier.arrive $0xFFFF  }
0xc9: {  	p0 =	sne.s32 s0, $0x0;
	s0 =	rddreg [dreg:$0x2]  }
0xca: {  	s0 =	sadd.s32 @!p0 $0x100000, s0  }
0xcb: {  	[sflag:s0] =	ssyncadd.tile.s32 @!p0 $0x1;
	_ =	shalt  }
.Lfunc_end2:
_tile_overlayer_lowered:
.L_overlay_start_2:
0xcc: {  	(tag) =	ssettag $0x2  }
0xcd: {  	s0 =	rddreg [dreg:$0x0];
	s2 =	stileid.u32  }
0xce: {  	s1 =	rddreg [dreg:$0x1];
	p0 =	sne.s32 s2, $0x0  }
0xcf: {  	s3 =	rddreg [dreg:$0x2];
	[bflag:$0x3] =	sbarrier.arrive $0xFFFF;
	s2 =	simm.s32 @!p0 $0x1C04  }
0xd0: {  	[timem:s3], [sflag:s2] =	dma.local @!p0 [hbm:s0], s1  }
0xd1: {  	s0 =	simm.s32 @!p0 $0x4  }
0xd2: {  	_ =	swait.ge @!p0 [sflag:s0], s1  }
0xd3: {  	s1 =	ssub.s32 @!p0 $0x0, s1;
	[sflag:s0] =	ssyncset.done @!p0 $0x0  }
0xd4: {  	[sflag:s0] =	ssyncadd.s32 @!p0 s1  }
0xd5: {  	[bflag:$0x3] =	sbarrier.arrive $0xFFFF  }
0xd6: {  	_ =	shalt  }

</sc_bundles>
